<compile_context>
chip_gen: v7x
topology: tpu7x:2x2x1
jax: 0.10.2.dev20260603
libtpu: 0.0.44.dev20260713+nightly
codegen_flags: <defaults>
</compile_context>

<pallas_src>
import jax
import jax.numpy as jnp
from jax import lax
from jax.experimental import pallas as pl
from jax.experimental.pallas import tpu as pltpu
from jax.experimental.pallas import tpu_sc as plsc

_NXM, _NYM = 240, 64
_G = 8
_COLS = _G * _NYM
_NP = 480
_IN, _H1, _HID = 768, 512, 128

_PROWS, _PCOLS = 738, 528
_FLAT = _PROWS * _PCOLS
_TROWS = 23
_NTILES = 32
_WIN = (_TROWS + 2) * _PCOLS
_OUT = _TROWS * _PCOLS


def _field_body(pv_ref, w1_ref, b1_ref, w2_ref, b2_ref, wg_ref, t_ref):
    f32 = jnp.float32
    a = jnp.dot(pv_ref[...], w1_ref[...], preferred_element_type=f32)
    a = a + b1_ref[...]
    a = jnp.maximum(a, 0.0) + jnp.log1p(jnp.exp(-jnp.abs(a)))
    h = jnp.dot(a, w2_ref[...], preferred_element_type=f32) + b2_ref[...]
    p0 = jnp.dot(h, wg_ref[0:_HID, :], preferred_element_type=f32)

    r4 = lax.broadcasted_iota(jnp.int32, (_NP, _COLS), 0)
    c4 = lax.broadcasted_iota(jnp.int32, (_NP, _COLS), 1)
    mask = ((r4 // 60 == c4 // 64) & (r4 % 4 == (c4 % 64) // 16)).astype(f32)
    xu = lax.broadcasted_iota(jnp.int32, (_NXM, _NP), 0)
    ru = lax.broadcasted_iota(jnp.int32, (_NXM, _NP), 1)
    u = ((ru % 60) // 4 == xu // 16).astype(f32)

    r_x = lax.broadcasted_iota(jnp.int32, (_NXM, _COLS), 0)
    c_i = lax.broadcasted_iota(jnp.int32, (_NXM, _COLS), 1)
    y = c_i % _NYM
    deg = (1
           + (r_x > 0).astype(jnp.int32) + (r_x < _NXM - 1).astype(jnp.int32)
           + (y > 0).astype(jnp.int32) + (y < _NYM - 1).astype(jnp.int32))
    rs = lax.rsqrt(deg.astype(f32))
    xp_f = (r_x // 16).astype(f32)
    yp_f = (y // 16).astype(f32)
    xi_f = (r_x % 16).astype(f32) * (1.0 / 15.0)
    yi_f = (y % 16).astype(f32) * (1.0 / 15.0)

    t_ref[...] = jnp.zeros((_PROWS, _PCOLS), f32)
    for c in range(3):
        z = p0[:, c:c + 1] * mask
        b = jnp.dot(u, z, preferred_element_type=f32)
        hx = (b
              + xp_f * wg_ref[_HID + 0:_HID + 1, c:c + 1]
              + yp_f * wg_ref[_HID + 1:_HID + 2, c:c + 1]
              + xi_f * wg_ref[_HID + 2:_HID + 3, c:c + 1]
              + yi_f * wg_ref[_HID + 3:_HID + 4, c:c + 1])
        t = rs * hx
        for g in range(_G):
            t_ref[c * 242 + 2:c * 242 + 242, g * 66 + 1:g * 66 + 65] = (
                t[:, g * _NYM:(g + 1) * _NYM])


def _sc_body(t_hbm, o_hbm, win, obuf):
    wid = lax.axis_index("s") * 2 + lax.axis_index("c")
    base = wid * _OUT
    pltpu.sync_copy(t_hbm.at[pl.ds(base, _WIN)], win)

    def body(i, carry):
        off = i * 16
        mid = win[pl.ds(off + _PCOLS, 16)]
        up = win[pl.ds(off, 16)]
        dn = win[pl.ds(off + 2 * _PCOLS, 16)]
        lf = win[pl.ds(off + _PCOLS - 1, 16)]
        rt = win[pl.ds(off + _PCOLS + 1, 16)]
        obuf[pl.ds(off, 16)] = mid + up + dn + lf + rt
        return carry

    lax.fori_loop(0, _OUT // 16, body, 0)
    pltpu.sync_copy(obuf, o_hbm.at[pl.ds(base + _PCOLS, _OUT)])


def _final_body(o_ref, bg_ref, out_ref):
    f32 = jnp.float32
    r_x = lax.broadcasted_iota(jnp.int32, (_NXM, _COLS), 0)
    c_i = lax.broadcasted_iota(jnp.int32, (_NXM, _COLS), 1)
    y = c_i % _NYM
    deg = (1
           + (r_x > 0).astype(jnp.int32) + (r_x < _NXM - 1).astype(jnp.int32)
           + (y > 0).astype(jnp.int32) + (y < _NYM - 1).astype(jnp.int32))
    rs = lax.rsqrt(deg.astype(f32))
    for c in range(3):
        plane = jnp.concatenate(
            [o_ref[c * 242 + 2:c * 242 + 242, g * 66 + 1:g * 66 + 65]
             for g in range(_G)], axis=1)
        out_ref[c, :, :] = rs * plane + bg_ref[0:1, c:c + 1]


def kernel(patch_vectors, W1, b1, W2, b2, Wg, bg, edge_index):
    del edge_index
    pv2 = patch_vectors.reshape(_NP, _IN)
    t_tab = pl.pallas_call(
        _field_body,
        out_shape=jax.ShapeDtypeStruct((_PROWS, _PCOLS), jnp.float32),
    )(pv2, W1, b1.reshape(1, _H1), W2, b2.reshape(1, _HID), Wg)

    mesh = plsc.VectorSubcoreMesh(core_axis_name="c", subcore_axis_name="s",
                                  num_cores=2, num_subcores=16)
    o_tab = pl.kernel(
        _sc_body,
        out_type=jax.ShapeDtypeStruct((_FLAT,), jnp.float32),
        mesh=mesh,
        scratch_types=[
            pltpu.VMEM((_WIN,), jnp.float32),
            pltpu.VMEM((_OUT,), jnp.float32),
        ],
    )(t_tab.reshape(_FLAT))

    out = pl.pallas_call(
        _final_body,
        out_shape=jax.ShapeDtypeStruct((3, _NXM, _COLS), jnp.float32),
    )(o_tab.reshape(_PROWS, _PCOLS), bg.reshape(1, 3))
    return out.reshape(3, _NXM, _G, _NYM).transpose(2, 1, 3, 0)

# --- scband reference (transcript-rebuilt; emitter-appended) ---
"""Pipeline reference for scband-gnndecoder-88201448391207 (READ-ONLY COPY).

The authoritative reference and input builder live on the scoring server;
editing this copy changes nothing except your own understanding.
"""

import jax, jax.numpy as jnp
import numpy as np

NX_P, NY_P = 15, 4
PX, PY = 16, 16
NX_M, NY_M = NX_P * PX, NY_P * PY  # 240, 64
HID = 128
IN_DIM = 768
BS, SEQ = 2, 4
N_NODES = NX_M * NY_M  # 15360


def make_edge_idx(n, m):
    # n = rows (Ny_mesh), m = cols (Nx_mesh); 4-neighbor grid, both directions
    iv = (np.arange(m)[:, None] * n + np.arange(n - 1)[None, :]).ravel()
    ih = (np.arange(m - 1)[:, None] * n + np.arange(n)[None, :]).ravel()
    src = np.concatenate([iv, iv + 1, ih, ih + n])
    dst = np.concatenate([iv + 1, iv, ih + n, ih])
    return np.stack([src, dst]).astype(np.int32)


def setup_inputs(seed: int = 0) -> dict:
    key = jax.random.key(seed)
    ks = jax.random.split(key, 8)
    patch_vectors = jax.random.normal(ks[0], (BS, SEQ * 60, IN_DIM), dtype=jnp.float32)
    W1 = jax.random.normal(ks[1], (IN_DIM, 512), dtype=jnp.float32) * 0.02
    b1 = jnp.zeros((512,), dtype=jnp.float32)
    W2 = jax.random.normal(ks[2], (512, HID), dtype=jnp.float32) * 0.02
    b2 = jnp.zeros((HID,), dtype=jnp.float32)
    Wg = jax.random.normal(ks[3], (HID + 4, 3), dtype=jnp.float32) * 0.05
    bg = jnp.zeros((3,), dtype=jnp.float32)
    edge_index = jnp.asarray(make_edge_idx(NY_M, NX_M))
    return {"patch_vectors": patch_vectors, "W1": W1, "b1": b1, "W2": W2,
            "b2": b2, "Wg": Wg, "bg": bg, "edge_index": edge_index}


def patch_to_px(pv):
    bs, seq, npatch, h = pv.shape
    pv = pv.reshape(bs, seq, NX_P, NY_P, h)
    pv = jnp.repeat(pv, PX, axis=2)
    pv = jnp.repeat(pv, PY, axis=3)
    return pv.reshape(bs, seq, NX_M, NY_M, h)


def reference(patch_vectors, W1, b1, W2, b2, Wg, bg, edge_index):
    bs, tot, _ = patch_vectors.shape
    seq = tot // 60
    # input MLP: 2 layers, softplus activation, last layer linear
    h = jax.nn.softplus(patch_vectors @ W1 + b1) @ W2 + b2
    h = h.reshape(bs, seq, 60, HID)
    nf = patch_to_px(h)  # (bs, seq, NX_M, NY_M, HID)
    # patch index features
    xg, yg = jnp.meshgrid(jnp.arange(NX_P), jnp.arange(NY_P), indexing='ij')
    pidx = jnp.stack([xg, yg], axis=-1).reshape(1, 1, 60, 2).astype(jnp.float32)
    pidx = patch_to_px(pidx)  # (1, 1, NX_M, NY_M, 2)
    # pixel index features
    xg2, yg2 = jnp.meshgrid(jnp.arange(PX), jnp.arange(PY), indexing='ij')
    pix = jnp.stack([xg2, yg2], axis=-1).astype(jnp.float32)
    pix = jnp.tile(pix, (NX_P, NY_P, 1))  # (NX_M, NY_M, 2)
    pix = pix / pix.max()
    pix = pix[None, None]
    nf = jnp.concatenate([
        nf,
        jnp.broadcast_to(pidx, (bs, seq, NX_M, NY_M, 2)),
        jnp.broadcast_to(pix, (bs, seq, NX_M, NY_M, 2)),
    ], axis=-1)
    g = bs * seq
    gn = g * N_NODES
    x = nf.reshape(gn, HID + 4)
    # batch the grid graphs with node-index offsets
    off = (jnp.arange(g, dtype=jnp.int32) * N_NODES)[:, None]
    src = (edge_index[0][None, :] + off).ravel()
    dst = (edge_index[1][None, :] + off).ravel()
    loops = jnp.arange(gn, dtype=jnp.int32)
    src = jnp.concatenate([src, loops])
    dst = jnp.concatenate([dst, loops])
    # GCN layer with symmetric normalization (self loops added)
    deg = jax.ops.segment_sum(jnp.ones_like(src, dtype=jnp.float32), dst, num_segments=gn)
    norm = jax.lax.rsqrt(deg[src] * deg[dst])
    hx = x @ Wg
    out = jax.ops.segment_sum(norm[:, None] * hx[src], dst, num_segments=gn) + bg
    return out.reshape(-1, NX_M, NY_M, 3)

if __name__ == "__main__":
    import jax
    _d = setup_inputs()
    print(jax.jit(kernel)(*tuple(_d.values())))

</pallas_src>

<mosaic_0001>
#map = affine_map<(d0, d1) -> (0)>
module attributes {stable_mosaic.version = 14 : i64} {
  func.func @_sc_body(%arg0: i32, %arg1: i32, %arg2: memref<389664xf32, #tpu.memory_space<hbm>>, %arg3: memref<389664xf32, #tpu.memory_space<hbm>>, %arg4: memref<13200xf32, #tpu.memory_space<vmem>>, %arg5: memref<12144xf32, #tpu.memory_space<vmem>>) attributes {dimension_semantics = [#tpu.dimension_semantics<core_parallel>, #tpu.dimension_semantics<subcore_parallel>], iteration_bounds = array<i64: 2, 16>, scalar_prefetch = 0 : i64, scratch_operands = 2 : i64, tpu.core_type = #tpu.core_type<sc_vector_subcore>, window_params = [{transform_indices = #map}, {transform_indices = #map}]} {
    %mul3A = arith.constant 2 : i32
    %mul3A_0 = arith.muli %arg1, %mul3A : i32
    %add3A = arith.addi %mul3A_0, %arg0 : i32
    %mul3A_1 = arith.constant 12144 : i32
    %mul3A_2 = arith.muli %add3A, %mul3A_1 : i32
    "tpu.region"() ({
      %run_scoped3A = tpu.sem_alloc : memref<!tpu.dma_semaphore, #tpu.memory_space<semaphore_mem>>
      %dma_start3A = tpu.memref_slice %arg2[%mul3A_2] : memref<389664xf32, #tpu.memory_space<hbm>> -> memref<13200xf32, #tpu.memory_space<hbm>>
      %dma_start3A_10 = tpu.memref_slice %arg2[%mul3A_2] : memref<389664xf32, #tpu.memory_space<hbm>> -> memref<13200xf32, #tpu.memory_space<hbm>>
      tpu.enqueue_dma source(%dma_start3A_10 : memref<13200xf32, #tpu.memory_space<hbm>>) target(%arg4 : memref<13200xf32, #tpu.memory_space<vmem>>) target_semaphore(%run_scoped3A : memref<!tpu.dma_semaphore, #tpu.memory_space<semaphore_mem>>)
      %dma_wait3A = tpu.memref_slice %arg2[%mul3A_2] : memref<389664xf32, #tpu.memory_space<hbm>> -> memref<13200xf32, #tpu.memory_space<hbm>>
      %dma_wait3A_11 = tpu.memref_slice %arg2[%mul3A_2] : memref<389664xf32, #tpu.memory_space<hbm>> -> memref<13200xf32, #tpu.memory_space<hbm>>
      tpu.wait_dma2 semaphore(%run_scoped3A : memref<!tpu.dma_semaphore, #tpu.memory_space<semaphore_mem>>) src(%dma_wait3A_11 : memref<13200xf32, #tpu.memory_space<hbm>>) dst(%arg4 : memref<13200xf32, #tpu.memory_space<vmem>>)
      tpu.yield
    }) : () -> ()
    %scan3A = arith.constant 0 : i32
    %scan3A_3 = arith.constant 0 : i32
    %scan3A_4 = arith.constant 759 : i32
    %scan3A_5 = arith.addi %scan3A_3, %scan3A_4 : i32
    %scan3A_6 = arith.constant 1 : i32
    scf.for %scan3A_10 = %scan3A_3 to %scan3A_5 step %scan3A_6  : i32 {
      %mul3A_11 = arith.constant 16 : i32
      %mul3A_12 = arith.muli %scan3A_10, %mul3A_11 : i32
      %add3A_13 = arith.constant 528 : i32
      %add3A_14 = arith.addi %mul3A_12, %add3A_13 : i32
      %get3A = arith.index_cast %add3A_14 : i32 to index
      %get3A_15 = tpu.vector_load %arg4[%get3A] {strides = array<i32>} : memref<13200xf32, #tpu.memory_space<vmem>>, vector<16xf32>,
      %get3A_16 = vector.shape_cast %get3A_15 : vector<16xf32> to vector<16xf32>
      %get3A_17 = arith.index_cast %mul3A_12 : i32 to index
      %get3A_18 = tpu.vector_load %arg4[%get3A_17] {strides = array<i32>} : memref<13200xf32, #tpu.memory_space<vmem>>, vector<16xf32>,
      %get3A_19 = vector.shape_cast %get3A_18 : vector<16xf32> to vector<16xf32>
      %add3A_20 = arith.constant 1056 : i32
      %add3A_21 = arith.addi %mul3A_12, %add3A_20 : i32
      %get3A_22 = arith.index_cast %add3A_21 : i32 to index
      %get3A_23 = tpu.vector_load %arg4[%get3A_22] {strides = array<i32>} : memref<13200xf32, #tpu.memory_space<vmem>>, vector<16xf32>,
      %get3A_24 = vector.shape_cast %get3A_23 : vector<16xf32> to vector<16xf32>
      %add3A_25 = arith.constant 528 : i32
      %add3A_26 = arith.addi %mul3A_12, %add3A_25 : i32
      %sub3A = arith.constant 1 : i32
      %sub3A_27 = arith.subi %add3A_26, %sub3A : i32
      %get3A_28 = arith.index_cast %sub3A_27 : i32 to index
      %get3A_29 = tpu.vector_load %arg4[%get3A_28] {strides = array<i32>} : memref<13200xf32, #tpu.memory_space<vmem>>, vector<16xf32>,
      %get3A_30 = vector.shape_cast %get3A_29 : vector<16xf32> to vector<16xf32>
      %add3A_31 = arith.constant 528 : i32
      %add3A_32 = arith.addi %mul3A_12, %add3A_31 : i32
      %add3A_33 = arith.constant 1 : i32
      %add3A_34 = arith.addi %add3A_32, %add3A_33 : i32
      %get3A_35 = arith.index_cast %add3A_34 : i32 to index
      %get3A_36 = tpu.vector_load %arg4[%get3A_35] {strides = array<i32>} : memref<13200xf32, #tpu.memory_space<vmem>>, vector<16xf32>,
      %get3A_37 = vector.shape_cast %get3A_36 : vector<16xf32> to vector<16xf32>
      %add3A_38 = arith.addf %get3A_16, %get3A_19 : vector<16xf32>
      %add3A_39 = arith.addf %add3A_38, %get3A_24 : vector<16xf32>
      %add3A_40 = arith.addf %add3A_39, %get3A_30 : vector<16xf32>
      %add3A_41 = arith.addf %add3A_40, %get3A_37 : vector<16xf32>
      %swap3A = arith.index_cast %mul3A_12 : i32 to index
      %swap3A_42 = tpu.vector_load %arg5[%swap3A] {strides = array<i32>} : memref<12144xf32, #tpu.memory_space<vmem>>, vector<16xf32>,
      %swap3A_43 = vector.shape_cast %swap3A_42 : vector<16xf32> to vector<16xf32>
      %swap3A_44 = vector.shape_cast %add3A_41 : vector<16xf32> to vector<16xf32>
      tpu.vector_store %arg5[%swap3A], %swap3A_44 {strides = array<i32>} : memref<12144xf32, #tpu.memory_space<vmem>>, vector<16xf32>,
    }
    %scan3A_7 = arith.constant 759 : i32
    %add3A_8 = arith.constant 528 : i32
    %add3A_9 = arith.addi %mul3A_2, %add3A_8 : i32
    "tpu.region"() ({
      %run_scoped3A = tpu.sem_alloc : memref<!tpu.dma_semaphore, #tpu.memory_space<semaphore_mem>>
      %dma_start3A = tpu.memref_slice %arg3[%add3A_9] : memref<389664xf32, #tpu.memory_space<hbm>> -> memref<12144xf32, #tpu.memory_space<hbm>>
      %dma_start3A_10 = tpu.memref_slice %arg3[%add3A_9] : memref<389664xf32, #tpu.memory_space<hbm>> -> memref<12144xf32, #tpu.memory_space<hbm>>
      tpu.enqueue_dma source(%arg5 : memref<12144xf32, #tpu.memory_space<vmem>>) target(%dma_start3A_10 : memref<12144xf32, #tpu.memory_space<hbm>>) target_semaphore(%run_scoped3A : memref<!tpu.dma_semaphore, #tpu.memory_space<semaphore_mem>>)
      %dma_wait3A = tpu.memref_slice %arg3[%add3A_9] : memref<389664xf32, #tpu.memory_space<hbm>> -> memref<12144xf32, #tpu.memory_space<hbm>>
      %dma_wait3A_11 = tpu.memref_slice %arg3[%add3A_9] : memref<389664xf32, #tpu.memory_space<hbm>> -> memref<12144xf32, #tpu.memory_space<hbm>>
      tpu.wait_dma2 semaphore(%run_scoped3A : memref<!tpu.dma_semaphore, #tpu.memory_space<semaphore_mem>>) src(%arg5 : memref<12144xf32, #tpu.memory_space<vmem>>) dst(%dma_wait3A_11 : memref<12144xf32, #tpu.memory_space<hbm>>)
      tpu.yield
    }) : () -> ()
    return
  }
}

module attributes {stable_mosaic.version = 14 : i64} {
  func.func @_final_body(%arg0: memref<738x528xf32, #tpu.memory_space<vmem>>, %arg1: memref<1x3xf32, #tpu.memory_space<vmem>>, %arg2: memref<3x240x512xf32, #tpu.memory_space<vmem>>) attributes {dimension_semantics = [], scalar_prefetch = 0 : i64, scratch_operands = 0 : i64, tpu.core_type = #tpu.core_type<tc>} {
    %iota3A = tpu.iota {dimensions = array<i32: 0>} : vector<240x512xi32>
    %iota3A_0 = tpu.iota {dimensions = array<i32: 1>} : vector<240x512xi32>
    %jit3A = arith.constant 64 : i32
    %eq3A = arith.constant 0 : i32
    %eq3A_1 = arith.cmpi eq, %jit3A, %eq3A : i32
    %jit3A_2 = arith.constant 1 : i32
    %select_n3A = arith.select %eq3A_1, %jit3A_2, %jit3A : i32
    %rem3A = vector.broadcast %select_n3A : i32 to vector<240x512xi32>
    %rem3A_3 = arith.remsi %iota3A_0, %rem3A : vector<240x512xi32>
    %ne3A = arith.constant 0 : i32
    %ne3A_4 = vector.broadcast %ne3A : i32 to vector<240x512xi32>
    %ne3A_5 = arith.cmpi ne, %rem3A_3, %ne3A_4 : vector<240x512xi32>
    %lt3A = arith.constant 0 : i32
    %lt3A_6 = vector.broadcast %lt3A : i32 to vector<240x512xi32>
    %lt3A_7 = arith.cmpi slt, %rem3A_3, %lt3A_6 : vector<240x512xi32>
    %lt3A_8 = arith.constant 0 : i32
    %lt3A_9 = arith.cmpi slt, %select_n3A, %lt3A_8 : i32
    %ne3A_10 = vector.broadcast %lt3A_9 : i1 to vector<240x512xi1>
    %ne3A_11 = vector.broadcast %ne3A_10 : vector<240x512xi1> to vector<240x512xi1>
    %ne3A_12 = arith.xori %lt3A_7, %ne3A_11 : vector<240x512xi1>
    %and3A = arith.andi %ne3A_12, %ne3A_5 : vector<240x512xi1>
    %add3A = vector.broadcast %select_n3A : i32 to vector<240x512xi32>
    %add3A_13 = arith.addi %rem3A_3, %add3A : vector<240x512xi32>
    %select_n3A_14 = arith.select %and3A, %add3A_13, %rem3A_3 : vector<240x512xi1>, vector<240x512xi32>
    %gt3A = arith.constant 0 : i32
    %gt3A_15 = vector.broadcast %gt3A : i32 to vector<240x512xi32>
    %gt3A_16 = arith.cmpi sgt, %iota3A, %gt3A_15 : vector<240x512xi32>
    %convert_element_type3A = arith.extui %gt3A_16 : vector<240x512xi1> to vector<240x512xi32>
    %add3A_17 = arith.constant 1 : i32
    %add3A_18 = vector.broadcast %add3A_17 : i32 to vector<240x512xi32>
    %add3A_19 = arith.addi %add3A_18, %convert_element_type3A : vector<240x512xi32>
    %lt3A_20 = arith.constant 239 : i32
    %lt3A_21 = vector.broadcast %lt3A_20 : i32 to vector<240x512xi32>
    %lt3A_22 = arith.cmpi slt, %iota3A, %lt3A_21 : vector<240x512xi32>
    %convert_element_type3A_23 = arith.extui %lt3A_22 : vector<240x512xi1> to vector<240x512xi32>
    %add3A_24 = arith.addi %add3A_19, %convert_element_type3A_23 : vector<240x512xi32>
    %gt3A_25 = arith.constant 0 : i32
    %gt3A_26 = vector.broadcast %gt3A_25 : i32 to vector<240x512xi32>
    %gt3A_27 = arith.cmpi sgt, %select_n3A_14, %gt3A_26 : vector<240x512xi32>
    %convert_element_type3A_28 = arith.extui %gt3A_27 : vector<240x512xi1> to vector<240x512xi32>
    %add3A_29 = arith.addi %add3A_24, %convert_element_type3A_28 : vector<240x512xi32>
    %lt3A_30 = arith.constant 63 : i32
    %lt3A_31 = vector.broadcast %lt3A_30 : i32 to vector<240x512xi32>
    %lt3A_32 = arith.cmpi slt, %select_n3A_14, %lt3A_31 : vector<240x512xi32>
    %convert_element_type3A_33 = arith.extui %lt3A_32 : vector<240x512xi1> to vector<240x512xi32>
    %add3A_34 = arith.addi %add3A_29, %convert_element_type3A_33 : vector<240x512xi32>
    %convert_element_type3A_35 = arith.sitofp %add3A_34 : vector<240x512xi32> to vector<240x512xf32>
    %rsqrt3A = math.rsqrt %convert_element_type3A_35 : vector<240x512xf32>
    %get3A = arith.constant 2 : index
    %get3A_36 = arith.constant 1 : index
    %get3A_37 = vector.load %arg0[%get3A, %get3A_36] : memref<738x528xf32, #tpu.memory_space<vmem>>, vector<240x64xf32>
    %get3A_38 = arith.constant 2 : index
    %get3A_39 = arith.constant 67 : index
    %get3A_40 = vector.load %arg0[%get3A_38, %get3A_39] : memref<738x528xf32, #tpu.memory_space<vmem>>, vector<240x64xf32>
    %get3A_41 = arith.constant 2 : index
    %get3A_42 = arith.constant 133 : index
    %get3A_43 = vector.load %arg0[%get3A_41, %get3A_42] : memref<738x528xf32, #tpu.memory_space<vmem>>, vector<240x64xf32>
    %get3A_44 = arith.constant 2 : index
    %get3A_45 = arith.constant 199 : index
    %get3A_46 = vector.load %arg0[%get3A_44, %get3A_45] : memref<738x528xf32, #tpu.memory_space<vmem>>, vector<240x64xf32>
    %get3A_47 = arith.constant 2 : index
    %get3A_48 = arith.constant 265 : index
    %get3A_49 = vector.load %arg0[%get3A_47, %get3A_48] : memref<738x528xf32, #tpu.memory_space<vmem>>, vector<240x64xf32>
    %get3A_50 = arith.constant 2 : index
    %get3A_51 = arith.constant 331 : index
    %get3A_52 = vector.load %arg0[%get3A_50, %get3A_51] : memref<738x528xf32, #tpu.memory_space<vmem>>, vector<240x64xf32>
    %get3A_53 = arith.constant 2 : index
    %get3A_54 = arith.constant 397 : index
    %get3A_55 = vector.load %arg0[%get3A_53, %get3A_54] : memref<738x528xf32, #tpu.memory_space<vmem>>, vector<240x64xf32>
    %get3A_56 = arith.constant 2 : index
    %get3A_57 = arith.constant 463 : index
    %get3A_58 = vector.load %arg0[%get3A_56, %get3A_57] : memref<738x528xf32, #tpu.memory_space<vmem>>, vector<240x64xf32>
    %concatenate3A = tpu.concatenate %get3A_37, %get3A_40, %get3A_43, %get3A_46, %get3A_49, %get3A_52, %get3A_55, %get3A_58 in 1 : vector<240x64xf32>, vector<240x64xf32>, vector<240x64xf32>, vector<240x64xf32>, vector<240x64xf32>, vector<240x64xf32>, vector<240x64xf32>, vector<240x64xf32> -> vector<240x512xf32>
    %mul3A = arith.mulf %rsqrt3A, %concatenate3A : vector<240x512xf32>
    %get3A_59 = arith.constant 0 : index
    %get3A_60 = arith.constant 0 : index
    %get3A_61 = vector.load %arg1[%get3A_59, %get3A_60] : memref<1x3xf32, #tpu.memory_space<vmem>>, vector<1x1xf32>
    %add3A_62 = vector.broadcast %get3A_61 : vector<1x1xf32> to vector<240x512xf32>
    %add3A_63 = arith.addf %mul3A, %add3A_62 : vector<240x512xf32>
    %swap3A = arith.constant 0 : index
    %swap3A_64 = arith.constant 0 : index
    %swap3A_65 = arith.constant 0 : index
    %swap3A_66 = vector.load %arg2[%swap3A, %swap3A_64, %swap3A_65] : memref<3x240x512xf32, #tpu.memory_space<vmem>>, vector<1x240x512xf32>
    %swap3A_67 = vector.shape_cast %swap3A_66 : vector<1x240x512xf32> to vector<240x512xf32>
    %swap3A_68 = vector.shape_cast %add3A_63 : vector<240x512xf32> to vector<1x240x512xf32>
    tpu.vector_store %arg2[%swap3A, %swap3A_64, %swap3A_65], %swap3A_68 {strides = array<i32>} : memref<3x240x512xf32, #tpu.memory_space<vmem>>, vector<1x240x512xf32>,
    %get3A_69 = arith.constant 244 : index
    %get3A_70 = arith.constant 1 : index
    %get3A_71 = vector.load %arg0[%get3A_69, %get3A_70] : memref<738x528xf32, #tpu.memory_space<vmem>>, vector<240x64xf32>
    %get3A_72 = arith.constant 244 : index
    %get3A_73 = arith.constant 67 : index
    %get3A_74 = vector.load %arg0[%get3A_72, %get3A_73] : memref<738x528xf32, #tpu.memory_space<vmem>>, vector<240x64xf32>
    %get3A_75 = arith.constant 244 : index
    %get3A_76 = arith.constant 133 : index
    %get3A_77 = vector.load %arg0[%get3A_75, %get3A_76] : memref<738x528xf32, #tpu.memory_space<vmem>>, vector<240x64xf32>
    %get3A_78 = arith.constant 244 : index
    %get3A_79 = arith.constant 199 : index
    %get3A_80 = vector.load %arg0[%get3A_78, %get3A_79] : memref<738x528xf32, #tpu.memory_space<vmem>>, vector<240x64xf32>
    %get3A_81 = arith.constant 244 : index
    %get3A_82 = arith.constant 265 : index
    %get3A_83 = vector.load %arg0[%get3A_81, %get3A_82] : memref<738x528xf32, #tpu.memory_space<vmem>>, vector<240x64xf32>
    %get3A_84 = arith.constant 244 : index
    %get3A_85 = arith.constant 331 : index
    %get3A_86 = vector.load %arg0[%get3A_84, %get3A_85] : memref<738x528xf32, #tpu.memory_space<vmem>>, vector<240x64xf32>
    %get3A_87 = arith.constant 244 : index
    %get3A_88 = arith.constant 397 : index
    %get3A_89 = vector.load %arg0[%get3A_87, %get3A_88] : memref<738x528xf32, #tpu.memory_space<vmem>>, vector<240x64xf32>
    %get3A_90 = arith.constant 244 : index
    %get3A_91 = arith.constant 463 : index
    %get3A_92 = vector.load %arg0[%get3A_90, %get3A_91] : memref<738x528xf32, #tpu.memory_space<vmem>>, vector<240x64xf32>
    %concatenate3A_93 = tpu.concatenate %get3A_71, %get3A_74, %get3A_77, %get3A_80, %get3A_83, %get3A_86, %get3A_89, %get3A_92 in 1 : vector<240x64xf32>, vector<240x64xf32>, vector<240x64xf32>, vector<240x64xf32>, vector<240x64xf32>, vector<240x64xf32>, vector<240x64xf32>, vector<240x64xf32> -> vector<240x512xf32>
    %mul3A_94 = arith.mulf %rsqrt3A, %concatenate3A_93 : vector<240x512xf32>
    %get3A_95 = arith.constant 0 : index
    %get3A_96 = arith.constant 1 : index
    %get3A_97 = vector.load %arg1[%get3A_95, %get3A_96] : memref<1x3xf32, #tpu.memory_space<vmem>>, vector<1x1xf32>
    %add3A_98 = vector.broadcast %get3A_97 : vector<1x1xf32> to vector<240x512xf32>
    %add3A_99 = arith.addf %mul3A_94, %add3A_98 : vector<240x512xf32>
    %swap3A_100 = arith.constant 1 : index
    %swap3A_101 = arith.constant 0 : index
    %swap3A_102 = arith.constant 0 : index
    %swap3A_103 = vector.load %arg2[%swap3A_100, %swap3A_101, %swap3A_102] : memref<3x240x512xf32, #tpu.memory_space<vmem>>, vector<1x240x512xf32>
    %swap3A_104 = vector.shape_cast %swap3A_103 : vector<1x240x512xf32> to vector<240x512xf32>
    %swap3A_105 = vector.shape_cast %add3A_99 : vector<240x512xf32> to vector<1x240x512xf32>
    tpu.vector_store %arg2[%swap3A_100, %swap3A_101, %swap3A_102], %swap3A_105 {strides = array<i32>} : memref<3x240x512xf32, #tpu.memory_space<vmem>>, vector<1x240x512xf32>,
    %get3A_106 = arith.constant 486 : index
    %get3A_107 = arith.constant 1 : index
    %get3A_108 = vector.load %arg0[%get3A_106, %get3A_107] : memref<738x528xf32, #tpu.memory_space<vmem>>, vector<240x64xf32>
    %get3A_109 = arith.constant 486 : index
    %get3A_110 = arith.constant 67 : index
    %get3A_111 = vector.load %arg0[%get3A_109, %get3A_110] : memref<738x528xf32, #tpu.memory_space<vmem>>, vector<240x64xf32>
    %get3A_112 = arith.constant 486 : index
    %get3A_113 = arith.constant 133 : index
    %get3A_114 = vector.load %arg0[%get3A_112, %get3A_113] : memref<738x528xf32, #tpu.memory_space<vmem>>, vector<240x64xf32>
    %get3A_115 = arith.constant 486 : index
    %get3A_116 = arith.constant 199 : index
    %get3A_117 = vector.load %arg0[%get3A_115, %get3A_116] : memref<738x528xf32, #tpu.memory_space<vmem>>, vector<240x64xf32>
    %get3A_118 = arith.constant 486 : index
    %get3A_119 = arith.constant 265 : index
    %get3A_120 = vector.load %arg0[%get3A_118, %get3A_119] : memref<738x528xf32, #tpu.memory_space<vmem>>, vector<240x64xf32>
    %get3A_121 = arith.constant 486 : index
    %get3A_122 = arith.constant 331 : index
    %get3A_123 = vector.load %arg0[%get3A_121, %get3A_122] : memref<738x528xf32, #tpu.memory_space<vmem>>, vector<240x64xf32>
    %get3A_124 = arith.constant 486 : index
    %get3A_125 = arith.constant 397 : index
    %get3A_126 = vector.load %arg0[%get3A_124, %get3A_125] : memref<738x528xf32, #tpu.memory_space<vmem>>, vector<240x64xf32>
    %get3A_127 = arith.constant 486 : index
    %get3A_128 = arith.constant 463 : index
    %get3A_129 = vector.load %arg0[%get3A_127, %get3A_128] : memref<738x528xf32, #tpu.memory_space<vmem>>, vector<240x64xf32>
    %concatenate3A_130 = tpu.concatenate %get3A_108, %get3A_111, %get3A_114, %get3A_117, %get3A_120, %get3A_123, %get3A_126, %get3A_129 in 1 : vector<240x64xf32>, vector<240x64xf32>, vector<240x64xf32>, vector<240x64xf32>, vector<240x64xf32>, vector<240x64xf32>, vector<240x64xf32>, vector<240x64xf32> -> vector<240x512xf32>
    %mul3A_131 = arith.mulf %rsqrt3A, %concatenate3A_130 : vector<240x512xf32>
    %get3A_132 = arith.constant 0 : index
    %get3A_133 = arith.constant 2 : index
    %get3A_134 = vector.load %arg1[%get3A_132, %get3A_133] : memref<1x3xf32, #tpu.memory_space<vmem>>, vector<1x1xf32>
    %add3A_135 = vector.broadcast %get3A_134 : vector<1x1xf32> to vector<240x512xf32>
    %add3A_136 = arith.addf %mul3A_131, %add3A_135 : vector<240x512xf32>
    %swap3A_137 = arith.constant 2 : index
    %swap3A_138 = arith.constant 0 : index
    %swap3A_139 = arith.constant 0 : index
    %swap3A_140 = vector.load %arg2[%swap3A_137, %swap3A_138, %swap3A_139] : memref<3x240x512xf32, #tpu.memory_space<vmem>>, vector<1x240x512xf32>
    %swap3A_141 = vector.shape_cast %swap3A_140 : vector<1x240x512xf32> to vector<240x512xf32>
    %swap3A_142 = vector.shape_cast %add3A_136 : vector<240x512xf32> to vector<1x240x512xf32>
    tpu.vector_store %arg2[%swap3A_137, %swap3A_138, %swap3A_139], %swap3A_142 {strides = array<i32>} : memref<3x240x512xf32, #tpu.memory_space<vmem>>, vector<1x240x512xf32>,
    return
  }
}

module attributes {stable_mosaic.version = 14 : i64} {
  func.func @_field_body(%arg0: memref<480x768xf32, #tpu.memory_space<vmem>>, %arg1: memref<768x512xf32, #tpu.memory_space<vmem>>, %arg2: memref<1x512xf32, #tpu.memory_space<vmem>>, %arg3: memref<512x128xf32, #tpu.memory_space<vmem>>, %arg4: memref<1x128xf32, #tpu.memory_space<vmem>>, %arg5: memref<132x3xf32, #tpu.memory_space<vmem>>, %arg6: memref<738x528xf32, #tpu.memory_space<vmem>>) attributes {dimension_semantics = [], scalar_prefetch = 0 : i64, scratch_operands = 0 : i64, tpu.core_type = #tpu.core_type<tc>} {
    %get3A = arith.constant 0 : index
    %get3A_0 = arith.constant 0 : index
    %get3A_1 = vector.load %arg0[%get3A, %get3A_0] : memref<480x768xf32, #tpu.memory_space<vmem>>, vector<480x768xf32>
    %get3A_2 = arith.constant 0 : index
    %get3A_3 = arith.constant 0 : index
    %get3A_4 = vector.load %arg1[%get3A_2, %get3A_3] : memref<768x512xf32, #tpu.memory_space<vmem>>, vector<768x512xf32>
    %dot_general3A = arith.constant dense<0.000000e+00> : vector<480x512xf32>
    %dot_general3A_5 = tpu.matmul %get3A_1, %get3A_4, %dot_general3A {dimension_numbers = #tpu.dot_dimension_numbers<[1], [0], [0], [1], [0, 0, 1, 1], [], []>, transpose_lhs_hint = false} : vector<480x768xf32>, vector<768x512xf32>, vector<480x512xf32> -> vector<480x512xf32>
    %get3A_6 = arith.constant 0 : index
    %get3A_7 = arith.constant 0 : index
    %get3A_8 = vector.load %arg2[%get3A_6, %get3A_7] : memref<1x512xf32, #tpu.memory_space<vmem>>, vector<1x512xf32>
    %add3A = vector.broadcast %get3A_8 : vector<1x512xf32> to vector<480x512xf32>
    %add3A_9 = arith.addf %dot_general3A_5, %add3A : vector<480x512xf32>
    %max3A = arith.constant 0.000000e+00 : f32
    %max3A_10 = vector.broadcast %max3A : f32 to vector<480x512xf32>
    %max3A_11 = arith.maximumf %add3A_9, %max3A_10 : vector<480x512xf32>
    %abs3A = math.absf %add3A_9 : vector<480x512xf32>
    %neg3A = arith.constant 0.000000e+00 : f32
    %neg3A_12 = vector.broadcast %neg3A : f32 to vector<480x512xf32>
    %neg3A_13 = arith.subf %neg3A_12, %abs3A : vector<480x512xf32>
    %exp3A = math.exp %neg3A_13 : vector<480x512xf32>
    %log1p3A = math.log1p %exp3A : vector<480x512xf32>
    %add3A_14 = arith.addf %max3A_11, %log1p3A : vector<480x512xf32>
    %get3A_15 = arith.constant 0 : index
    %get3A_16 = arith.constant 0 : index
    %get3A_17 = vector.load %arg3[%get3A_15, %get3A_16] : memref<512x128xf32, #tpu.memory_space<vmem>>, vector<512x128xf32>
    %dot_general3A_18 = arith.constant dense<0.000000e+00> : vector<480x128xf32>
    %dot_general3A_19 = tpu.matmul %add3A_14, %get3A_17, %dot_general3A_18 {dimension_numbers = #tpu.dot_dimension_numbers<[1], [0], [0], [1], [0, 0, 1, 1], [], []>, transpose_lhs_hint = false} : vector<480x512xf32>, vector<512x128xf32>, vector<480x128xf32> -> vector<480x128xf32>
    %get3A_20 = arith.constant 0 : index
    %get3A_21 = arith.constant 0 : index
    %get3A_22 = vector.load %arg4[%get3A_20, %get3A_21] : memref<1x128xf32, #tpu.memory_space<vmem>>, vector<1x128xf32>
    %add3A_23 = vector.broadcast %get3A_22 : vector<1x128xf32> to vector<480x128xf32>
    %add3A_24 = arith.addf %dot_general3A_19, %add3A_23 : vector<480x128xf32>
    %get3A_25 = arith.constant 0 : index
    %get3A_26 = arith.constant 0 : index
    %get3A_27 = vector.load %arg5[%get3A_25, %get3A_26] : memref<132x3xf32, #tpu.memory_space<vmem>>, vector<128x3xf32>
    %dot_general3A_28 = arith.constant dense<0.000000e+00> : vector<480x3xf32>
    %dot_general3A_29 = tpu.matmul %add3A_24, %get3A_27, %dot_general3A_28 {dimension_numbers = #tpu.dot_dimension_numbers<[1], [0], [0], [1], [0, 0, 1, 1], [], []>, transpose_lhs_hint = false} : vector<480x128xf32>, vector<128x3xf32>, vector<480x3xf32> -> vector<480x3xf32>
    %iota3A = tpu.iota {dimensions = array<i32: 0>} : vector<480x512xi32>
    %iota3A_30 = tpu.iota {dimensions = array<i32: 1>} : vector<480x512xi32>
    %jit3A = arith.constant 60 : i32
    %div3A = vector.broadcast %jit3A : i32 to vector<480x512xi32>
    %div3A_31 = arith.divsi %iota3A, %div3A : vector<480x512xi32>
    %sign3A = arith.constant 0 : i32
    %sign3A_32 = vector.broadcast %sign3A : i32 to vector<480x512xi32>
    %sign3A_33 = arith.cmpi sgt, %iota3A, %sign3A_32 : vector<480x512xi32>
    %sign3A_34 = arith.extui %sign3A_33 : vector<480x512xi1> to vector<480x512xi32>
    %sign3A_35 = arith.constant 0 : i32
    %sign3A_36 = vector.broadcast %sign3A_35 : i32 to vector<480x512xi32>
    %sign3A_37 = arith.cmpi slt, %iota3A, %sign3A_36 : vector<480x512xi32>
    %sign3A_38 = arith.extui %sign3A_37 : vector<480x512xi1> to vector<480x512xi32>
    %sign3A_39 = arith.subi %sign3A_34, %sign3A_38 : vector<480x512xi32>
    %sign3A_40 = arith.constant 0 : i32
    %sign3A_41 = arith.cmpi sgt, %jit3A, %sign3A_40 : i32
    %sign3A_42 = arith.extui %sign3A_41 : i1 to i32
    %sign3A_43 = arith.constant 0 : i32
    %sign3A_44 = arith.cmpi slt, %jit3A, %sign3A_43 : i32
    %sign3A_45 = arith.extui %sign3A_44 : i1 to i32
    %sign3A_46 = arith.subi %sign3A_42, %sign3A_45 : i32
    %ne3A = vector.broadcast %sign3A_46 : i32 to vector<480x512xi32>
    %ne3A_47 = arith.cmpi ne, %sign3A_39, %ne3A : vector<480x512xi32>
    %rem3A = vector.broadcast %jit3A : i32 to vector<480x512xi32>
    %rem3A_48 = arith.remsi %iota3A, %rem3A : vector<480x512xi32>
    %ne3A_49 = arith.constant 0 : i32
    %ne3A_50 = vector.broadcast %ne3A_49 : i32 to vector<480x512xi32>
    %ne3A_51 = arith.cmpi ne, %rem3A_48, %ne3A_50 : vector<480x512xi32>
    %and3A = arith.andi %ne3A_47, %ne3A_51 : vector<480x512xi1>
    %sub3A = arith.constant 1 : i32
    %sub3A_52 = vector.broadcast %sub3A : i32 to vector<480x512xi32>
    %sub3A_53 = arith.subi %div3A_31, %sub3A_52 : vector<480x512xi32>
    %select_n3A = arith.select %and3A, %sub3A_53, %div3A_31 : vector<480x512xi1>, vector<480x512xi32>
    %jit3A_54 = arith.constant 64 : i32
    %div3A_55 = vector.broadcast %jit3A_54 : i32 to vector<480x512xi32>
    %div3A_56 = arith.divsi %iota3A_30, %div3A_55 : vector<480x512xi32>
    %sign3A_57 = arith.constant 0 : i32
    %sign3A_58 = vector.broadcast %sign3A_57 : i32 to vector<480x512xi32>
    %sign3A_59 = arith.cmpi sgt, %iota3A_30, %sign3A_58 : vector<480x512xi32>
    %sign3A_60 = arith.extui %sign3A_59 : vector<480x512xi1> to vector<480x512xi32>
    %sign3A_61 = arith.constant 0 : i32
    %sign3A_62 = vector.broadcast %sign3A_61 : i32 to vector<480x512xi32>
    %sign3A_63 = arith.cmpi slt, %iota3A_30, %sign3A_62 : vector<480x512xi32>
    %sign3A_64 = arith.extui %sign3A_63 : vector<480x512xi1> to vector<480x512xi32>
    %sign3A_65 = arith.subi %sign3A_60, %sign3A_64 : vector<480x512xi32>
    %sign3A_66 = arith.constant 0 : i32
    %sign3A_67 = arith.cmpi sgt, %jit3A_54, %sign3A_66 : i32
    %sign3A_68 = arith.extui %sign3A_67 : i1 to i32
    %sign3A_69 = arith.constant 0 : i32
    %sign3A_70 = arith.cmpi slt, %jit3A_54, %sign3A_69 : i32
    %sign3A_71 = arith.extui %sign3A_70 : i1 to i32
    %sign3A_72 = arith.subi %sign3A_68, %sign3A_71 : i32
    %ne3A_73 = vector.broadcast %sign3A_72 : i32 to vector<480x512xi32>
    %ne3A_74 = arith.cmpi ne, %sign3A_65, %ne3A_73 : vector<480x512xi32>
    %rem3A_75 = vector.broadcast %jit3A_54 : i32 to vector<480x512xi32>
    %rem3A_76 = arith.remsi %iota3A_30, %rem3A_75 : vector<480x512xi32>
    %ne3A_77 = arith.constant 0 : i32
    %ne3A_78 = vector.broadcast %ne3A_77 : i32 to vector<480x512xi32>
    %ne3A_79 = arith.cmpi ne, %rem3A_76, %ne3A_78 : vector<480x512xi32>
    %and3A_80 = arith.andi %ne3A_74, %ne3A_79 : vector<480x512xi1>
    %sub3A_81 = arith.constant 1 : i32
    %sub3A_82 = vector.broadcast %sub3A_81 : i32 to vector<480x512xi32>
    %sub3A_83 = arith.subi %div3A_56, %sub3A_82 : vector<480x512xi32>
    %select_n3A_84 = arith.select %and3A_80, %sub3A_83, %div3A_56 : vector<480x512xi1>, vector<480x512xi32>
    %eq3A = arith.cmpi eq, %select_n3A, %select_n3A_84 : vector<480x512xi32>
    %jit3A_85 = arith.constant 4 : i32
    %eq3A_86 = arith.constant 0 : i32
    %eq3A_87 = arith.cmpi eq, %jit3A_85, %eq3A_86 : i32
    %jit3A_88 = arith.constant 1 : i32
    %select_n3A_89 = arith.select %eq3A_87, %jit3A_88, %jit3A_85 : i32
    %rem3A_90 = vector.broadcast %select_n3A_89 : i32 to vector<480x512xi32>
    %rem3A_91 = arith.remsi %iota3A, %rem3A_90 : vector<480x512xi32>
    %ne3A_92 = arith.constant 0 : i32
    %ne3A_93 = vector.broadcast %ne3A_92 : i32 to vector<480x512xi32>
    %ne3A_94 = arith.cmpi ne, %rem3A_91, %ne3A_93 : vector<480x512xi32>
    %lt3A = arith.constant 0 : i32
    %lt3A_95 = vector.broadcast %lt3A : i32 to vector<480x512xi32>
    %lt3A_96 = arith.cmpi slt, %rem3A_91, %lt3A_95 : vector<480x512xi32>
    %lt3A_97 = arith.constant 0 : i32
    %lt3A_98 = arith.cmpi slt, %select_n3A_89, %lt3A_97 : i32
    %ne3A_99 = vector.broadcast %lt3A_98 : i1 to vector<480x512xi1>
    %ne3A_100 = vector.broadcast %ne3A_99 : vector<480x512xi1> to vector<480x512xi1>
    %ne3A_101 = arith.xori %lt3A_96, %ne3A_100 : vector<480x512xi1>
    %and3A_102 = arith.andi %ne3A_101, %ne3A_94 : vector<480x512xi1>
    %add3A_103 = vector.broadcast %select_n3A_89 : i32 to vector<480x512xi32>
    %add3A_104 = arith.addi %rem3A_91, %add3A_103 : vector<480x512xi32>
    %select_n3A_105 = arith.select %and3A_102, %add3A_104, %rem3A_91 : vector<480x512xi1>, vector<480x512xi32>
    %jit3A_106 = arith.constant 64 : i32
    %eq3A_107 = arith.constant 0 : i32
    %eq3A_108 = arith.cmpi eq, %jit3A_106, %eq3A_107 : i32
    %jit3A_109 = arith.constant 1 : i32
    %select_n3A_110 = arith.select %eq3A_108, %jit3A_109, %jit3A_106 : i32
    %rem3A_111 = vector.broadcast %select_n3A_110 : i32 to vector<480x512xi32>
    %rem3A_112 = arith.remsi %iota3A_30, %rem3A_111 : vector<480x512xi32>
    %ne3A_113 = arith.constant 0 : i32
    %ne3A_114 = vector.broadcast %ne3A_113 : i32 to vector<480x512xi32>
    %ne3A_115 = arith.cmpi ne, %rem3A_112, %ne3A_114 : vector<480x512xi32>
    %lt3A_116 = arith.constant 0 : i32
    %lt3A_117 = vector.broadcast %lt3A_116 : i32 to vector<480x512xi32>
    %lt3A_118 = arith.cmpi slt, %rem3A_112, %lt3A_117 : vector<480x512xi32>
    %lt3A_119 = arith.constant 0 : i32
    %lt3A_120 = arith.cmpi slt, %select_n3A_110, %lt3A_119 : i32
    %ne3A_121 = vector.broadcast %lt3A_120 : i1 to vector<480x512xi1>
    %ne3A_122 = vector.broadcast %ne3A_121 : vector<480x512xi1> to vector<480x512xi1>
    %ne3A_123 = arith.xori %lt3A_118, %ne3A_122 : vector<480x512xi1>
    %and3A_124 = arith.andi %ne3A_123, %ne3A_115 : vector<480x512xi1>
    %add3A_125 = vector.broadcast %select_n3A_110 : i32 to vector<480x512xi32>
    %add3A_126 = arith.addi %rem3A_112, %add3A_125 : vector<480x512xi32>
    %select_n3A_127 = arith.select %and3A_124, %add3A_126, %rem3A_112 : vector<480x512xi1>, vector<480x512xi32>
    %jit3A_128 = arith.constant 16 : i32
    %div3A_129 = vector.broadcast %jit3A_128 : i32 to vector<480x512xi32>
    %div3A_130 = arith.divsi %select_n3A_127, %div3A_129 : vector<480x512xi32>
    %sign3A_131 = arith.constant 0 : i32
    %sign3A_132 = vector.broadcast %sign3A_131 : i32 to vector<480x512xi32>
    %sign3A_133 = arith.cmpi sgt, %select_n3A_127, %sign3A_132 : vector<480x512xi32>
    %sign3A_134 = arith.extui %sign3A_133 : vector<480x512xi1> to vector<480x512xi32>
    %sign3A_135 = arith.constant 0 : i32
    %sign3A_136 = vector.broadcast %sign3A_135 : i32 to vector<480x512xi32>
    %sign3A_137 = arith.cmpi slt, %select_n3A_127, %sign3A_136 : vector<480x512xi32>
    %sign3A_138 = arith.extui %sign3A_137 : vector<480x512xi1> to vector<480x512xi32>
    %sign3A_139 = arith.subi %sign3A_134, %sign3A_138 : vector<480x512xi32>
    %sign3A_140 = arith.constant 0 : i32
    %sign3A_141 = arith.cmpi sgt, %jit3A_128, %sign3A_140 : i32
    %sign3A_142 = arith.extui %sign3A_141 : i1 to i32
    %sign3A_143 = arith.constant 0 : i32
    %sign3A_144 = arith.cmpi slt, %jit3A_128, %sign3A_143 : i32
    %sign3A_145 = arith.extui %sign3A_144 : i1 to i32
    %sign3A_146 = arith.subi %sign3A_142, %sign3A_145 : i32
    %ne3A_147 = vector.broadcast %sign3A_146 : i32 to vector<480x512xi32>
    %ne3A_148 = arith.cmpi ne, %sign3A_139, %ne3A_147 : vector<480x512xi32>
    %rem3A_149 = vector.broadcast %jit3A_128 : i32 to vector<480x512xi32>
    %rem3A_150 = arith.remsi %select_n3A_127, %rem3A_149 : vector<480x512xi32>
    %ne3A_151 = arith.constant 0 : i32
    %ne3A_152 = vector.broadcast %ne3A_151 : i32 to vector<480x512xi32>
    %ne3A_153 = arith.cmpi ne, %rem3A_150, %ne3A_152 : vector<480x512xi32>
    %and3A_154 = arith.andi %ne3A_148, %ne3A_153 : vector<480x512xi1>
    %sub3A_155 = arith.constant 1 : i32
    %sub3A_156 = vector.broadcast %sub3A_155 : i32 to vector<480x512xi32>
    %sub3A_157 = arith.subi %div3A_130, %sub3A_156 : vector<480x512xi32>
    %select_n3A_158 = arith.select %and3A_154, %sub3A_157, %div3A_130 : vector<480x512xi1>, vector<480x512xi32>
    %eq3A_159 = arith.cmpi eq, %select_n3A_105, %select_n3A_158 : vector<480x512xi32>
    %and3A_160 = arith.andi %eq3A, %eq3A_159 : vector<480x512xi1>
    %convert_element_type3A = arith.extui %and3A_160 : vector<480x512xi1> to vector<480x512xi32>
    %convert_element_type3A_161 = arith.sitofp %convert_element_type3A : vector<480x512xi32> to vector<480x512xf32>
    %iota3A_162 = tpu.iota {dimensions = array<i32: 0>} : vector<240x480xi32>
    %iota3A_163 = tpu.iota {dimensions = array<i32: 1>} : vector<240x480xi32>
    %jit3A_164 = arith.constant 60 : i32
    %eq3A_165 = arith.constant 0 : i32
    %eq3A_166 = arith.cmpi eq, %jit3A_164, %eq3A_165 : i32
    %jit3A_167 = arith.constant 1 : i32
    %select_n3A_168 = arith.select %eq3A_166, %jit3A_167, %jit3A_164 : i32
    %rem3A_169 = vector.broadcast %select_n3A_168 : i32 to vector<240x480xi32>
    %rem3A_170 = arith.remsi %iota3A_163, %rem3A_169 : vector<240x480xi32>
    %ne3A_171 = arith.constant 0 : i32
    %ne3A_172 = vector.broadcast %ne3A_171 : i32 to vector<240x480xi32>
    %ne3A_173 = arith.cmpi ne, %rem3A_170, %ne3A_172 : vector<240x480xi32>
    %lt3A_174 = arith.constant 0 : i32
    %lt3A_175 = vector.broadcast %lt3A_174 : i32 to vector<240x480xi32>
    %lt3A_176 = arith.cmpi slt, %rem3A_170, %lt3A_175 : vector<240x480xi32>
    %lt3A_177 = arith.constant 0 : i32
    %lt3A_178 = arith.cmpi slt, %select_n3A_168, %lt3A_177 : i32
    %ne3A_179 = vector.broadcast %lt3A_178 : i1 to vector<240x480xi1>
    %ne3A_180 = vector.broadcast %ne3A_179 : vector<240x480xi1> to vector<240x480xi1>
    %ne3A_181 = arith.xori %lt3A_176, %ne3A_180 : vector<240x480xi1>
    %and3A_182 = arith.andi %ne3A_181, %ne3A_173 : vector<240x480xi1>
    %add3A_183 = vector.broadcast %select_n3A_168 : i32 to vector<240x480xi32>
    %add3A_184 = arith.addi %rem3A_170, %add3A_183 : vector<240x480xi32>
    %select_n3A_185 = arith.select %and3A_182, %add3A_184, %rem3A_170 : vector<240x480xi1>, vector<240x480xi32>
    %jit3A_186 = arith.constant 4 : i32
    %div3A_187 = vector.broadcast %jit3A_186 : i32 to vector<240x480xi32>
    %div3A_188 = arith.divsi %select_n3A_185, %div3A_187 : vector<240x480xi32>
    %sign3A_189 = arith.constant 0 : i32
    %sign3A_190 = vector.broadcast %sign3A_189 : i32 to vector<240x480xi32>
    %sign3A_191 = arith.cmpi sgt, %select_n3A_185, %sign3A_190 : vector<240x480xi32>
    %sign3A_192 = arith.extui %sign3A_191 : vector<240x480xi1> to vector<240x480xi32>
    %sign3A_193 = arith.constant 0 : i32
    %sign3A_194 = vector.broadcast %sign3A_193 : i32 to vector<240x480xi32>
    %sign3A_195 = arith.cmpi slt, %select_n3A_185, %sign3A_194 : vector<240x480xi32>
    %sign3A_196 = arith.extui %sign3A_195 : vector<240x480xi1> to vector<240x480xi32>
    %sign3A_197 = arith.subi %sign3A_192, %sign3A_196 : vector<240x480xi32>
    %sign3A_198 = arith.constant 0 : i32
    %sign3A_199 = arith.cmpi sgt, %jit3A_186, %sign3A_198 : i32
    %sign3A_200 = arith.extui %sign3A_199 : i1 to i32
    %sign3A_201 = arith.constant 0 : i32
    %sign3A_202 = arith.cmpi slt, %jit3A_186, %sign3A_201 : i32
    %sign3A_203 = arith.extui %sign3A_202 : i1 to i32
    %sign3A_204 = arith.subi %sign3A_200, %sign3A_203 : i32
    %ne3A_205 = vector.broadcast %sign3A_204 : i32 to vector<240x480xi32>
    %ne3A_206 = arith.cmpi ne, %sign3A_197, %ne3A_205 : vector<240x480xi32>
    %rem3A_207 = vector.broadcast %jit3A_186 : i32 to vector<240x480xi32>
    %rem3A_208 = arith.remsi %select_n3A_185, %rem3A_207 : vector<240x480xi32>
    %ne3A_209 = arith.constant 0 : i32
    %ne3A_210 = vector.broadcast %ne3A_209 : i32 to vector<240x480xi32>
    %ne3A_211 = arith.cmpi ne, %rem3A_208, %ne3A_210 : vector<240x480xi32>
    %and3A_212 = arith.andi %ne3A_206, %ne3A_211 : vector<240x480xi1>
    %sub3A_213 = arith.constant 1 : i32
    %sub3A_214 = vector.broadcast %sub3A_213 : i32 to vector<240x480xi32>
    %sub3A_215 = arith.subi %div3A_188, %sub3A_214 : vector<240x480xi32>
    %select_n3A_216 = arith.select %and3A_212, %sub3A_215, %div3A_188 : vector<240x480xi1>, vector<240x480xi32>
    %jit3A_217 = arith.constant 16 : i32
    %div3A_218 = vector.broadcast %jit3A_217 : i32 to vector<240x480xi32>
    %div3A_219 = arith.divsi %iota3A_162, %div3A_218 : vector<240x480xi32>
    %sign3A_220 = arith.constant 0 : i32
    %sign3A_221 = vector.broadcast %sign3A_220 : i32 to vector<240x480xi32>
    %sign3A_222 = arith.cmpi sgt, %iota3A_162, %sign3A_221 : vector<240x480xi32>
    %sign3A_223 = arith.extui %sign3A_222 : vector<240x480xi1> to vector<240x480xi32>
    %sign3A_224 = arith.constant 0 : i32
    %sign3A_225 = vector.broadcast %sign3A_224 : i32 to vector<240x480xi32>
    %sign3A_226 = arith.cmpi slt, %iota3A_162, %sign3A_225 : vector<240x480xi32>
    %sign3A_227 = arith.extui %sign3A_226 : vector<240x480xi1> to vector<240x480xi32>
    %sign3A_228 = arith.subi %sign3A_223, %sign3A_227 : vector<240x480xi32>
    %sign3A_229 = arith.constant 0 : i32
    %sign3A_230 = arith.cmpi sgt, %jit3A_217, %sign3A_229 : i32
    %sign3A_231 = arith.extui %sign3A_230 : i1 to i32
    %sign3A_232 = arith.constant 0 : i32
    %sign3A_233 = arith.cmpi slt, %jit3A_217, %sign3A_232 : i32
    %sign3A_234 = arith.extui %sign3A_233 : i1 to i32
    %sign3A_235 = arith.subi %sign3A_231, %sign3A_234 : i32
    %ne3A_236 = vector.broadcast %sign3A_235 : i32 to vector<240x480xi32>
    %ne3A_237 = arith.cmpi ne, %sign3A_228, %ne3A_236 : vector<240x480xi32>
    %rem3A_238 = vector.broadcast %jit3A_217 : i32 to vector<240x480xi32>
    %rem3A_239 = arith.remsi %iota3A_162, %rem3A_238 : vector<240x480xi32>
    %ne3A_240 = arith.constant 0 : i32
    %ne3A_241 = vector.broadcast %ne3A_240 : i32 to vector<240x480xi32>
    %ne3A_242 = arith.cmpi ne, %rem3A_239, %ne3A_241 : vector<240x480xi32>
    %and3A_243 = arith.andi %ne3A_237, %ne3A_242 : vector<240x480xi1>
    %sub3A_244 = arith.constant 1 : i32
    %sub3A_245 = vector.broadcast %sub3A_244 : i32 to vector<240x480xi32>
    %sub3A_246 = arith.subi %div3A_219, %sub3A_245 : vector<240x480xi32>
    %select_n3A_247 = arith.select %and3A_243, %sub3A_246, %div3A_219 : vector<240x480xi1>, vector<240x480xi32>
    %eq3A_248 = arith.cmpi eq, %select_n3A_216, %select_n3A_247 : vector<240x480xi32>
    %convert_element_type3A_249 = arith.extui %eq3A_248 : vector<240x480xi1> to vector<240x480xi32>
    %convert_element_type3A_250 = arith.sitofp %convert_element_type3A_249 : vector<240x480xi32> to vector<240x480xf32>
    %iota3A_251 = tpu.iota {dimensions = array<i32: 0>} : vector<240x512xi32>
    %iota3A_252 = tpu.iota {dimensions = array<i32: 1>} : vector<240x512xi32>
    %jit3A_253 = arith.constant 64 : i32
    %eq3A_254 = arith.constant 0 : i32
    %eq3A_255 = arith.cmpi eq, %jit3A_253, %eq3A_254 : i32
    %jit3A_256 = arith.constant 1 : i32
    %select_n3A_257 = arith.select %eq3A_255, %jit3A_256, %jit3A_253 : i32
    %rem3A_258 = vector.broadcast %select_n3A_257 : i32 to vector<240x512xi32>
    %rem3A_259 = arith.remsi %iota3A_252, %rem3A_258 : vector<240x512xi32>
    %ne3A_260 = arith.constant 0 : i32
    %ne3A_261 = vector.broadcast %ne3A_260 : i32 to vector<240x512xi32>
    %ne3A_262 = arith.cmpi ne, %rem3A_259, %ne3A_261 : vector<240x512xi32>
    %lt3A_263 = arith.constant 0 : i32
    %lt3A_264 = vector.broadcast %lt3A_263 : i32 to vector<240x512xi32>
    %lt3A_265 = arith.cmpi slt, %rem3A_259, %lt3A_264 : vector<240x512xi32>
    %lt3A_266 = arith.constant 0 : i32
    %lt3A_267 = arith.cmpi slt, %select_n3A_257, %lt3A_266 : i32
    %ne3A_268 = vector.broadcast %lt3A_267 : i1 to vector<240x512xi1>
    %ne3A_269 = vector.broadcast %ne3A_268 : vector<240x512xi1> to vector<240x512xi1>
    %ne3A_270 = arith.xori %lt3A_265, %ne3A_269 : vector<240x512xi1>
    %and3A_271 = arith.andi %ne3A_270, %ne3A_262 : vector<240x512xi1>
    %add3A_272 = vector.broadcast %select_n3A_257 : i32 to vector<240x512xi32>
    %add3A_273 = arith.addi %rem3A_259, %add3A_272 : vector<240x512xi32>
    %select_n3A_274 = arith.select %and3A_271, %add3A_273, %rem3A_259 : vector<240x512xi1>, vector<240x512xi32>
    %gt3A = arith.constant 0 : i32
    %gt3A_275 = vector.broadcast %gt3A : i32 to vector<240x512xi32>
    %gt3A_276 = arith.cmpi sgt, %iota3A_251, %gt3A_275 : vector<240x512xi32>
    %convert_element_type3A_277 = arith.extui %gt3A_276 : vector<240x512xi1> to vector<240x512xi32>
    %add3A_278 = arith.constant 1 : i32
    %add3A_279 = vector.broadcast %add3A_278 : i32 to vector<240x512xi32>
    %add3A_280 = arith.addi %add3A_279, %convert_element_type3A_277 : vector<240x512xi32>
    %lt3A_281 = arith.constant 239 : i32
    %lt3A_282 = vector.broadcast %lt3A_281 : i32 to vector<240x512xi32>
    %lt3A_283 = arith.cmpi slt, %iota3A_251, %lt3A_282 : vector<240x512xi32>
    %convert_element_type3A_284 = arith.extui %lt3A_283 : vector<240x512xi1> to vector<240x512xi32>
    %add3A_285 = arith.addi %add3A_280, %convert_element_type3A_284 : vector<240x512xi32>
    %gt3A_286 = arith.constant 0 : i32
    %gt3A_287 = vector.broadcast %gt3A_286 : i32 to vector<240x512xi32>
    %gt3A_288 = arith.cmpi sgt, %select_n3A_274, %gt3A_287 : vector<240x512xi32>
    %convert_element_type3A_289 = arith.extui %gt3A_288 : vector<240x512xi1> to vector<240x512xi32>
    %add3A_290 = arith.addi %add3A_285, %convert_element_type3A_289 : vector<240x512xi32>
    %lt3A_291 = arith.constant 63 : i32
    %lt3A_292 = vector.broadcast %lt3A_291 : i32 to vector<240x512xi32>
    %lt3A_293 = arith.cmpi slt, %select_n3A_274, %lt3A_292 : vector<240x512xi32>
    %convert_element_type3A_294 = arith.extui %lt3A_293 : vector<240x512xi1> to vector<240x512xi32>
    %add3A_295 = arith.addi %add3A_290, %convert_element_type3A_294 : vector<240x512xi32>
    %convert_element_type3A_296 = arith.sitofp %add3A_295 : vector<240x512xi32> to vector<240x512xf32>
    %rsqrt3A = math.rsqrt %convert_element_type3A_296 : vector<240x512xf32>
    %jit3A_297 = arith.constant 16 : i32
    %div3A_298 = vector.broadcast %jit3A_297 : i32 to vector<240x512xi32>
    %div3A_299 = arith.divsi %iota3A_251, %div3A_298 : vector<240x512xi32>
    %sign3A_300 = arith.constant 0 : i32
    %sign3A_301 = vector.broadcast %sign3A_300 : i32 to vector<240x512xi32>
    %sign3A_302 = arith.cmpi sgt, %iota3A_251, %sign3A_301 : vector<240x512xi32>
    %sign3A_303 = arith.extui %sign3A_302 : vector<240x512xi1> to vector<240x512xi32>
    %sign3A_304 = arith.constant 0 : i32
    %sign3A_305 = vector.broadcast %sign3A_304 : i32 to vector<240x512xi32>
    %sign3A_306 = arith.cmpi slt, %iota3A_251, %sign3A_305 : vector<240x512xi32>
    %sign3A_307 = arith.extui %sign3A_306 : vector<240x512xi1> to vector<240x512xi32>
    %sign3A_308 = arith.subi %sign3A_303, %sign3A_307 : vector<240x512xi32>
    %sign3A_309 = arith.constant 0 : i32
    %sign3A_310 = arith.cmpi sgt, %jit3A_297, %sign3A_309 : i32
    %sign3A_311 = arith.extui %sign3A_310 : i1 to i32
    %sign3A_312 = arith.constant 0 : i32
    %sign3A_313 = arith.cmpi slt, %jit3A_297, %sign3A_312 : i32
    %sign3A_314 = arith.extui %sign3A_313 : i1 to i32
    %sign3A_315 = arith.subi %sign3A_311, %sign3A_314 : i32
    %ne3A_316 = vector.broadcast %sign3A_315 : i32 to vector<240x512xi32>
    %ne3A_317 = arith.cmpi ne, %sign3A_308, %ne3A_316 : vector<240x512xi32>
    %rem3A_318 = vector.broadcast %jit3A_297 : i32 to vector<240x512xi32>
    %rem3A_319 = arith.remsi %iota3A_251, %rem3A_318 : vector<240x512xi32>
    %ne3A_320 = arith.constant 0 : i32
    %ne3A_321 = vector.broadcast %ne3A_320 : i32 to vector<240x512xi32>
    %ne3A_322 = arith.cmpi ne, %rem3A_319, %ne3A_321 : vector<240x512xi32>
    %and3A_323 = arith.andi %ne3A_317, %ne3A_322 : vector<240x512xi1>
    %sub3A_324 = arith.constant 1 : i32
    %sub3A_325 = vector.broadcast %sub3A_324 : i32 to vector<240x512xi32>
    %sub3A_326 = arith.subi %div3A_299, %sub3A_325 : vector<240x512xi32>
    %select_n3A_327 = arith.select %and3A_323, %sub3A_326, %div3A_299 : vector<240x512xi1>, vector<240x512xi32>
    %convert_element_type3A_328 = arith.sitofp %select_n3A_327 : vector<240x512xi32> to vector<240x512xf32>
    %jit3A_329 = arith.constant 16 : i32
    %div3A_330 = vector.broadcast %jit3A_329 : i32 to vector<240x512xi32>
    %div3A_331 = arith.divsi %select_n3A_274, %div3A_330 : vector<240x512xi32>
    %sign3A_332 = arith.constant 0 : i32
    %sign3A_333 = vector.broadcast %sign3A_332 : i32 to vector<240x512xi32>
    %sign3A_334 = arith.cmpi sgt, %select_n3A_274, %sign3A_333 : vector<240x512xi32>
    %sign3A_335 = arith.extui %sign3A_334 : vector<240x512xi1> to vector<240x512xi32>
    %sign3A_336 = arith.constant 0 : i32
    %sign3A_337 = vector.broadcast %sign3A_336 : i32 to vector<240x512xi32>
    %sign3A_338 = arith.cmpi slt, %select_n3A_274, %sign3A_337 : vector<240x512xi32>
    %sign3A_339 = arith.extui %sign3A_338 : vector<240x512xi1> to vector<240x512xi32>
    %sign3A_340 = arith.subi %sign3A_335, %sign3A_339 : vector<240x512xi32>
    %sign3A_341 = arith.constant 0 : i32
    %sign3A_342 = arith.cmpi sgt, %jit3A_329, %sign3A_341 : i32
    %sign3A_343 = arith.extui %sign3A_342 : i1 to i32
    %sign3A_344 = arith.constant 0 : i32
    %sign3A_345 = arith.cmpi slt, %jit3A_329, %sign3A_344 : i32
    %sign3A_346 = arith.extui %sign3A_345 : i1 to i32
    %sign3A_347 = arith.subi %sign3A_343, %sign3A_346 : i32
    %ne3A_348 = vector.broadcast %sign3A_347 : i32 to vector<240x512xi32>
    %ne3A_349 = arith.cmpi ne, %sign3A_340, %ne3A_348 : vector<240x512xi32>
    %rem3A_350 = vector.broadcast %jit3A_329 : i32 to vector<240x512xi32>
    %rem3A_351 = arith.remsi %select_n3A_274, %rem3A_350 : vector<240x512xi32>
    %ne3A_352 = arith.constant 0 : i32
    %ne3A_353 = vector.broadcast %ne3A_352 : i32 to vector<240x512xi32>
    %ne3A_354 = arith.cmpi ne, %rem3A_351, %ne3A_353 : vector<240x512xi32>
    %and3A_355 = arith.andi %ne3A_349, %ne3A_354 : vector<240x512xi1>
    %sub3A_356 = arith.constant 1 : i32
    %sub3A_357 = vector.broadcast %sub3A_356 : i32 to vector<240x512xi32>
    %sub3A_358 = arith.subi %div3A_331, %sub3A_357 : vector<240x512xi32>
    %select_n3A_359 = arith.select %and3A_355, %sub3A_358, %div3A_331 : vector<240x512xi1>, vector<240x512xi32>
    %convert_element_type3A_360 = arith.sitofp %select_n3A_359 : vector<240x512xi32> to vector<240x512xf32>
    %jit3A_361 = arith.constant 16 : i32
    %eq3A_362 = arith.constant 0 : i32
    %eq3A_363 = arith.cmpi eq, %jit3A_361, %eq3A_362 : i32
    %jit3A_364 = arith.constant 1 : i32
    %select_n3A_365 = arith.select %eq3A_363, %jit3A_364, %jit3A_361 : i32
    %rem3A_366 = vector.broadcast %select_n3A_365 : i32 to vector<240x512xi32>
    %rem3A_367 = arith.remsi %iota3A_251, %rem3A_366 : vector<240x512xi32>
    %ne3A_368 = arith.constant 0 : i32
    %ne3A_369 = vector.broadcast %ne3A_368 : i32 to vector<240x512xi32>
    %ne3A_370 = arith.cmpi ne, %rem3A_367, %ne3A_369 : vector<240x512xi32>
    %lt3A_371 = arith.constant 0 : i32
    %lt3A_372 = vector.broadcast %lt3A_371 : i32 to vector<240x512xi32>
    %lt3A_373 = arith.cmpi slt, %rem3A_367, %lt3A_372 : vector<240x512xi32>
    %lt3A_374 = arith.constant 0 : i32
    %lt3A_375 = arith.cmpi slt, %select_n3A_365, %lt3A_374 : i32
    %ne3A_376 = vector.broadcast %lt3A_375 : i1 to vector<240x512xi1>
    %ne3A_377 = vector.broadcast %ne3A_376 : vector<240x512xi1> to vector<240x512xi1>
    %ne3A_378 = arith.xori %lt3A_373, %ne3A_377 : vector<240x512xi1>
    %and3A_379 = arith.andi %ne3A_378, %ne3A_370 : vector<240x512xi1>
    %add3A_380 = vector.broadcast %select_n3A_365 : i32 to vector<240x512xi32>
    %add3A_381 = arith.addi %rem3A_367, %add3A_380 : vector<240x512xi32>
    %select_n3A_382 = arith.select %and3A_379, %add3A_381, %rem3A_367 : vector<240x512xi1>, vector<240x512xi32>
    %convert_element_type3A_383 = arith.sitofp %select_n3A_382 : vector<240x512xi32> to vector<240x512xf32>
    %mul3A = arith.constant 0.0666666701 : f32
    %mul3A_384 = vector.broadcast %mul3A : f32 to vector<240x512xf32>
    %mul3A_385 = arith.mulf %convert_element_type3A_383, %mul3A_384 : vector<240x512xf32>
    %jit3A_386 = arith.constant 16 : i32
    %eq3A_387 = arith.constant 0 : i32
    %eq3A_388 = arith.cmpi eq, %jit3A_386, %eq3A_387 : i32
    %jit3A_389 = arith.constant 1 : i32
    %select_n3A_390 = arith.select %eq3A_388, %jit3A_389, %jit3A_386 : i32
    %rem3A_391 = vector.broadcast %select_n3A_390 : i32 to vector<240x512xi32>
    %rem3A_392 = arith.remsi %select_n3A_274, %rem3A_391 : vector<240x512xi32>
    %ne3A_393 = arith.constant 0 : i32
    %ne3A_394 = vector.broadcast %ne3A_393 : i32 to vector<240x512xi32>
    %ne3A_395 = arith.cmpi ne, %rem3A_392, %ne3A_394 : vector<240x512xi32>
    %lt3A_396 = arith.constant 0 : i32
    %lt3A_397 = vector.broadcast %lt3A_396 : i32 to vector<240x512xi32>
    %lt3A_398 = arith.cmpi slt, %rem3A_392, %lt3A_397 : vector<240x512xi32>
    %lt3A_399 = arith.constant 0 : i32
    %lt3A_400 = arith.cmpi slt, %select_n3A_390, %lt3A_399 : i32
    %ne3A_401 = vector.broadcast %lt3A_400 : i1 to vector<240x512xi1>
    %ne3A_402 = vector.broadcast %ne3A_401 : vector<240x512xi1> to vector<240x512xi1>
    %ne3A_403 = arith.xori %lt3A_398, %ne3A_402 : vector<240x512xi1>
    %and3A_404 = arith.andi %ne3A_403, %ne3A_395 : vector<240x512xi1>
    %add3A_405 = vector.broadcast %select_n3A_390 : i32 to vector<240x512xi32>
    %add3A_406 = arith.addi %rem3A_392, %add3A_405 : vector<240x512xi32>
    %select_n3A_407 = arith.select %and3A_404, %add3A_406, %rem3A_392 : vector<240x512xi1>, vector<240x512xi32>
    %convert_element_type3A_408 = arith.sitofp %select_n3A_407 : vector<240x512xi32> to vector<240x512xf32>
    %mul3A_409 = arith.constant 0.0666666701 : f32
    %mul3A_410 = vector.broadcast %mul3A_409 : f32 to vector<240x512xf32>
    %mul3A_411 = arith.mulf %convert_element_type3A_408, %mul3A_410 : vector<240x512xf32>
    %broadcast_in_dim3A = arith.constant 0.000000e+00 : f32
    %broadcast_in_dim3A_412 = vector.broadcast %broadcast_in_dim3A : f32 to vector<738x528xf32>
    %swap3A = arith.constant 0 : index
    %swap3A_413 = arith.constant 0 : index
    %swap3A_414 = vector.load %arg6[%swap3A, %swap3A_413] : memref<738x528xf32, #tpu.memory_space<vmem>>, vector<738x528xf32>
    tpu.vector_store %arg6[%swap3A, %swap3A_413], %broadcast_in_dim3A_412 {strides = array<i32>} : memref<738x528xf32, #tpu.memory_space<vmem>>, vector<738x528xf32>,
    %slice3A = vector.extract_strided_slice %dot_general3A_29 {offsets = [0, 0], sizes = [480, 1], strides = [1, 1]} : vector<480x3xf32> to vector<480x1xf32>
    %mul3A_415 = vector.broadcast %slice3A : vector<480x1xf32> to vector<480x512xf32>
    %mul3A_416 = arith.mulf %mul3A_415, %convert_element_type3A_161 : vector<480x512xf32>
    %dot_general3A_417 = arith.constant dense<0.000000e+00> : vector<240x512xf32>
    %dot_general3A_418 = tpu.matmul %convert_element_type3A_250, %mul3A_416, %dot_general3A_417 {dimension_numbers = #tpu.dot_dimension_numbers<[1], [0], [0], [1], [0, 0, 1, 1], [], []>, transpose_lhs_hint = false} : vector<240x480xf32>, vector<480x512xf32>, vector<240x512xf32> -> vector<240x512xf32>
    %get3A_419 = arith.constant 128 : index
    %get3A_420 = arith.constant 0 : index
    %get3A_421 = vector.load %arg5[%get3A_419, %get3A_420] : memref<132x3xf32, #tpu.memory_space<vmem>>, vector<1x1xf32>
    %mul3A_422 = vector.broadcast %get3A_421 : vector<1x1xf32> to vector<240x512xf32>
    %mul3A_423 = arith.mulf %convert_element_type3A_328, %mul3A_422 : vector<240x512xf32>
    %add3A_424 = arith.addf %dot_general3A_418, %mul3A_423 : vector<240x512xf32>
    %get3A_425 = arith.constant 129 : index
    %get3A_426 = arith.constant 0 : index
    %get3A_427 = vector.load %arg5[%get3A_425, %get3A_426] : memref<132x3xf32, #tpu.memory_space<vmem>>, vector<1x1xf32>
    %mul3A_428 = vector.broadcast %get3A_427 : vector<1x1xf32> to vector<240x512xf32>
    %mul3A_429 = arith.mulf %convert_element_type3A_360, %mul3A_428 : vector<240x512xf32>
    %add3A_430 = arith.addf %add3A_424, %mul3A_429 : vector<240x512xf32>
    %get3A_431 = arith.constant 130 : index
    %get3A_432 = arith.constant 0 : index
    %get3A_433 = vector.load %arg5[%get3A_431, %get3A_432] : memref<132x3xf32, #tpu.memory_space<vmem>>, vector<1x1xf32>
    %mul3A_434 = vector.broadcast %get3A_433 : vector<1x1xf32> to vector<240x512xf32>
    %mul3A_435 = arith.mulf %mul3A_385, %mul3A_434 : vector<240x512xf32>
    %add3A_436 = arith.addf %add3A_430, %mul3A_435 : vector<240x512xf32>
    %get3A_437 = arith.constant 131 : index
    %get3A_438 = arith.constant 0 : index
    %get3A_439 = vector.load %arg5[%get3A_437, %get3A_438] : memref<132x3xf32, #tpu.memory_space<vmem>>, vector<1x1xf32>
    %mul3A_440 = vector.broadcast %get3A_439 : vector<1x1xf32> to vector<240x512xf32>
    %mul3A_441 = arith.mulf %mul3A_411, %mul3A_440 : vector<240x512xf32>
    %add3A_442 = arith.addf %add3A_436, %mul3A_441 : vector<240x512xf32>
    %mul3A_443 = arith.mulf %rsqrt3A, %add3A_442 : vector<240x512xf32>
    %slice3A_444 = vector.extract_strided_slice %mul3A_443 {offsets = [0, 0], sizes = [240, 64], strides = [1, 1]} : vector<240x512xf32> to vector<240x64xf32>
    %swap3A_445 = arith.constant 2 : index
    %swap3A_446 = arith.constant 1 : index
    %swap3A_447 = vector.load %arg6[%swap3A_445, %swap3A_446] : memref<738x528xf32, #tpu.memory_space<vmem>>, vector<240x64xf32>
    tpu.vector_store %arg6[%swap3A_445, %swap3A_446], %slice3A_444 {strides = array<i32>} : memref<738x528xf32, #tpu.memory_space<vmem>>, vector<240x64xf32>,
    %slice3A_448 = vector.extract_strided_slice %mul3A_443 {offsets = [0, 64], sizes = [240, 64], strides = [1, 1]} : vector<240x512xf32> to vector<240x64xf32>
    %swap3A_449 = arith.constant 2 : index
    %swap3A_450 = arith.constant 67 : index
    %swap3A_451 = vector.load %arg6[%swap3A_449, %swap3A_450] : memref<738x528xf32, #tpu.memory_space<vmem>>, vector<240x64xf32>
    tpu.vector_store %arg6[%swap3A_449, %swap3A_450], %slice3A_448 {strides = array<i32>} : memref<738x528xf32, #tpu.memory_space<vmem>>, vector<240x64xf32>,
    %slice3A_452 = vector.extract_strided_slice %mul3A_443 {offsets = [0, 128], sizes = [240, 64], strides = [1, 1]} : vector<240x512xf32> to vector<240x64xf32>
    %swap3A_453 = arith.constant 2 : index
    %swap3A_454 = arith.constant 133 : index
    %swap3A_455 = vector.load %arg6[%swap3A_453, %swap3A_454] : memref<738x528xf32, #tpu.memory_space<vmem>>, vector<240x64xf32>
    tpu.vector_store %arg6[%swap3A_453, %swap3A_454], %slice3A_452 {strides = array<i32>} : memref<738x528xf32, #tpu.memory_space<vmem>>, vector<240x64xf32>,
    %slice3A_456 = vector.extract_strided_slice %mul3A_443 {offsets = [0, 192], sizes = [240, 64], strides = [1, 1]} : vector<240x512xf32> to vector<240x64xf32>
    %swap3A_457 = arith.constant 2 : index
    %swap3A_458 = arith.constant 199 : index
    %swap3A_459 = vector.load %arg6[%swap3A_457, %swap3A_458] : memref<738x528xf32, #tpu.memory_space<vmem>>, vector<240x64xf32>
    tpu.vector_store %arg6[%swap3A_457, %swap3A_458], %slice3A_456 {strides = array<i32>} : memref<738x528xf32, #tpu.memory_space<vmem>>, vector<240x64xf32>,
    %slice3A_460 = vector.extract_strided_slice %mul3A_443 {offsets = [0, 256], sizes = [240, 64], strides = [1, 1]} : vector<240x512xf32> to vector<240x64xf32>
    %swap3A_461 = arith.constant 2 : index
    %swap3A_462 = arith.constant 265 : index
    %swap3A_463 = vector.load %arg6[%swap3A_461, %swap3A_462] : memref<738x528xf32, #tpu.memory_space<vmem>>, vector<240x64xf32>
    tpu.vector_store %arg6[%swap3A_461, %swap3A_462], %slice3A_460 {strides = array<i32>} : memref<738x528xf32, #tpu.memory_space<vmem>>, vector<240x64xf32>,
    %slice3A_464 = vector.extract_strided_slice %mul3A_443 {offsets = [0, 320], sizes = [240, 64], strides = [1, 1]} : vector<240x512xf32> to vector<240x64xf32>
    %swap3A_465 = arith.constant 2 : index
    %swap3A_466 = arith.constant 331 : index
    %swap3A_467 = vector.load %arg6[%swap3A_465, %swap3A_466] : memref<738x528xf32, #tpu.memory_space<vmem>>, vector<240x64xf32>
    tpu.vector_store %arg6[%swap3A_465, %swap3A_466], %slice3A_464 {strides = array<i32>} : memref<738x528xf32, #tpu.memory_space<vmem>>, vector<240x64xf32>,
    %slice3A_468 = vector.extract_strided_slice %mul3A_443 {offsets = [0, 384], sizes = [240, 64], strides = [1, 1]} : vector<240x512xf32> to vector<240x64xf32>
    %swap3A_469 = arith.constant 2 : index
    %swap3A_470 = arith.constant 397 : index
    %swap3A_471 = vector.load %arg6[%swap3A_469, %swap3A_470] : memref<738x528xf32, #tpu.memory_space<vmem>>, vector<240x64xf32>
    tpu.vector_store %arg6[%swap3A_469, %swap3A_470], %slice3A_468 {strides = array<i32>} : memref<738x528xf32, #tpu.memory_space<vmem>>, vector<240x64xf32>,
    %slice3A_472 = vector.extract_strided_slice %mul3A_443 {offsets = [0, 448], sizes = [240, 64], strides = [1, 1]} : vector<240x512xf32> to vector<240x64xf32>
    %swap3A_473 = arith.constant 2 : index
    %swap3A_474 = arith.constant 463 : index
    %swap3A_475 = vector.load %arg6[%swap3A_473, %swap3A_474] : memref<738x528xf32, #tpu.memory_space<vmem>>, vector<240x64xf32>
    tpu.vector_store %arg6[%swap3A_473, %swap3A_474], %slice3A_472 {strides = array<i32>} : memref<738x528xf32, #tpu.memory_space<vmem>>, vector<240x64xf32>,
    %slice3A_476 = vector.extract_strided_slice %dot_general3A_29 {offsets = [0, 1], sizes = [480, 1], strides = [1, 1]} : vector<480x3xf32> to vector<480x1xf32>
    %mul3A_477 = vector.broadcast %slice3A_476 : vector<480x1xf32> to vector<480x512xf32>
    %mul3A_478 = arith.mulf %mul3A_477, %convert_element_type3A_161 : vector<480x512xf32>
    %dot_general3A_479 = arith.constant dense<0.000000e+00> : vector<240x512xf32>
    %dot_general3A_480 = tpu.matmul %convert_element_type3A_250, %mul3A_478, %dot_general3A_479 {dimension_numbers = #tpu.dot_dimension_numbers<[1], [0], [0], [1], [0, 0, 1, 1], [], []>, transpose_lhs_hint = false} : vector<240x480xf32>, vector<480x512xf32>, vector<240x512xf32> -> vector<240x512xf32>
    %get3A_481 = arith.constant 128 : index
    %get3A_482 = arith.constant 1 : index
    %get3A_483 = vector.load %arg5[%get3A_481, %get3A_482] : memref<132x3xf32, #tpu.memory_space<vmem>>, vector<1x1xf32>
    %mul3A_484 = vector.broadcast %get3A_483 : vector<1x1xf32> to vector<240x512xf32>
    %mul3A_485 = arith.mulf %convert_element_type3A_328, %mul3A_484 : vector<240x512xf32>
    %add3A_486 = arith.addf %dot_general3A_480, %mul3A_485 : vector<240x512xf32>
    %get3A_487 = arith.constant 129 : index
    %get3A_488 = arith.constant 1 : index
    %get3A_489 = vector.load %arg5[%get3A_487, %get3A_488] : memref<132x3xf32, #tpu.memory_space<vmem>>, vector<1x1xf32>
    %mul3A_490 = vector.broadcast %get3A_489 : vector<1x1xf32> to vector<240x512xf32>
    %mul3A_491 = arith.mulf %convert_element_type3A_360, %mul3A_490 : vector<240x512xf32>
    %add3A_492 = arith.addf %add3A_486, %mul3A_491 : vector<240x512xf32>
    %get3A_493 = arith.constant 130 : index
    %get3A_494 = arith.constant 1 : index
    %get3A_495 = vector.load %arg5[%get3A_493, %get3A_494] : memref<132x3xf32, #tpu.memory_space<vmem>>, vector<1x1xf32>
    %mul3A_496 = vector.broadcast %get3A_495 : vector<1x1xf32> to vector<240x512xf32>
    %mul3A_497 = arith.mulf %mul3A_385, %mul3A_496 : vector<240x512xf32>
    %add3A_498 = arith.addf %add3A_492, %mul3A_497 : vector<240x512xf32>
    %get3A_499 = arith.constant 131 : index
    %get3A_500 = arith.constant 1 : index
    %get3A_501 = vector.load %arg5[%get3A_499, %get3A_500] : memref<132x3xf32, #tpu.memory_space<vmem>>, vector<1x1xf32>
    %mul3A_502 = vector.broadcast %get3A_501 : vector<1x1xf32> to vector<240x512xf32>
    %mul3A_503 = arith.mulf %mul3A_411, %mul3A_502 : vector<240x512xf32>
    %add3A_504 = arith.addf %add3A_498, %mul3A_503 : vector<240x512xf32>
    %mul3A_505 = arith.mulf %rsqrt3A, %add3A_504 : vector<240x512xf32>
    %slice3A_506 = vector.extract_strided_slice %mul3A_505 {offsets = [0, 0], sizes = [240, 64], strides = [1, 1]} : vector<240x512xf32> to vector<240x64xf32>
    %swap3A_507 = arith.constant 244 : index
    %swap3A_508 = arith.constant 1 : index
    %swap3A_509 = vector.load %arg6[%swap3A_507, %swap3A_508] : memref<738x528xf32, #tpu.memory_space<vmem>>, vector<240x64xf32>
    tpu.vector_store %arg6[%swap3A_507, %swap3A_508], %slice3A_506 {strides = array<i32>} : memref<738x528xf32, #tpu.memory_space<vmem>>, vector<240x64xf32>,
    %slice3A_510 = vector.extract_strided_slice %mul3A_505 {offsets = [0, 64], sizes = [240, 64], strides = [1, 1]} : vector<240x512xf32> to vector<240x64xf32>
    %swap3A_511 = arith.constant 244 : index
    %swap3A_512 = arith.constant 67 : index
    %swap3A_513 = vector.load %arg6[%swap3A_511, %swap3A_512] : memref<738x528xf32, #tpu.memory_space<vmem>>, vector<240x64xf32>
    tpu.vector_store %arg6[%swap3A_511, %swap3A_512], %slice3A_510 {strides = array<i32>} : memref<738x528xf32, #tpu.memory_space<vmem>>, vector<240x64xf32>,
    %slice3A_514 = vector.extract_strided_slice %mul3A_505 {offsets = [0, 128], sizes = [240, 64], strides = [1, 1]} : vector<240x512xf32> to vector<240x64xf32>
    %swap3A_515 = arith.constant 244 : index
    %swap3A_516 = arith.constant 133 : index
    %swap3A_517 = vector.load %arg6[%swap3A_515, %swap3A_516] : memref<738x528xf32, #tpu.memory_space<vmem>>, vector<240x64xf32>
    tpu.vector_store %arg6[%swap3A_515, %swap3A_516], %slice3A_514 {strides = array<i32>} : memref<738x528xf32, #tpu.memory_space<vmem>>, vector<240x64xf32>,
    %slice3A_518 = vector.extract_strided_slice %mul3A_505 {offsets = [0, 192], sizes = [240, 64], strides = [1, 1]} : vector<240x512xf32> to vector<240x64xf32>
    %swap3A_519 = arith.constant 244 : index
    %swap3A_520 = arith.constant 199 : index
    %swap3A_521 = vector.load %arg6[%swap3A_519, %swap3A_520] : memref<738x528xf32, #tpu.memory_space<vmem>>, vector<240x64xf32>
    tpu.vector_store %arg6[%swap3A_519, %swap3A_520], %slice3A_518 {strides = array<i32>} : memref<738x528xf32, #tpu.memory_space<vmem>>, vector<240x64xf32>,
    %slice3A_522 = vector.extract_strided_slice %mul3A_505 {offsets = [0, 256], sizes = [240, 64], strides = [1, 1]} : vector<240x512xf32> to vector<240x64xf32>
    %swap3A_523 = arith.constant 244 : index
    %swap3A_524 = arith.constant 265 : index
    %swap3A_525 = vector.load %arg6[%swap3A_523, %swap3A_524] : memref<738x528xf32, #tpu.memory_space<vmem>>, vector<240x64xf32>
    tpu.vector_store %arg6[%swap3A_523, %swap3A_524], %slice3A_522 {strides = array<i32>} : memref<738x528xf32, #tpu.memory_space<vmem>>, vector<240x64xf32>,
    %slice3A_526 = vector.extract_strided_slice %mul3A_505 {offsets = [0, 320], sizes = [240, 64], strides = [1, 1]} : vector<240x512xf32> to vector<240x64xf32>
    %swap3A_527 = arith.constant 244 : index
    %swap3A_528 = arith.constant 331 : index
    %swap3A_529 = vector.load %arg6[%swap3A_527, %swap3A_528] : memref<738x528xf32, #tpu.memory_space<vmem>>, vector<240x64xf32>
    tpu.vector_store %arg6[%swap3A_527, %swap3A_528], %slice3A_526 {strides = array<i32>} : memref<738x528xf32, #tpu.memory_space<vmem>>, vector<240x64xf32>,
    %slice3A_530 = vector.extract_strided_slice %mul3A_505 {offsets = [0, 384], sizes = [240, 64], strides = [1, 1]} : vector<240x512xf32> to vector<240x64xf32>
    %swap3A_531 = arith.constant 244 : index
    %swap3A_532 = arith.constant 397 : index
    %swap3A_533 = vector.load %arg6[%swap3A_531, %swap3A_532] : memref<738x528xf32, #tpu.memory_space<vmem>>, vector<240x64xf32>
    tpu.vector_store %arg6[%swap3A_531, %swap3A_532], %slice3A_530 {strides = array<i32>} : memref<738x528xf32, #tpu.memory_space<vmem>>, vector<240x64xf32>,
    %slice3A_534 = vector.extract_strided_slice %mul3A_505 {offsets = [0, 448], sizes = [240, 64], strides = [1, 1]} : vector<240x512xf32> to vector<240x64xf32>
    %swap3A_535 = arith.constant 244 : index
    %swap3A_536 = arith.constant 463 : index
    %swap3A_537 = vector.load %arg6[%swap3A_535, %swap3A_536] : memref<738x528xf32, #tpu.memory_space<vmem>>, vector<240x64xf32>
    tpu.vector_store %arg6[%swap3A_535, %swap3A_536], %slice3A_534 {strides = array<i32>} : memref<738x528xf32, #tpu.memory_space<vmem>>, vector<240x64xf32>,
    %slice3A_538 = vector.extract_strided_slice %dot_general3A_29 {offsets = [0, 2], sizes = [480, 1], strides = [1, 1]} : vector<480x3xf32> to vector<480x1xf32>
    %mul3A_539 = vector.broadcast %slice3A_538 : vector<480x1xf32> to vector<480x512xf32>
    %mul3A_540 = arith.mulf %mul3A_539, %convert_element_type3A_161 : vector<480x512xf32>
    %dot_general3A_541 = arith.constant dense<0.000000e+00> : vector<240x512xf32>
    %dot_general3A_542 = tpu.matmul %convert_element_type3A_250, %mul3A_540, %dot_general3A_541 {dimension_numbers = #tpu.dot_dimension_numbers<[1], [0], [0], [1], [0, 0, 1, 1], [], []>, transpose_lhs_hint = false} : vector<240x480xf32>, vector<480x512xf32>, vector<240x512xf32> -> vector<240x512xf32>
    %get3A_543 = arith.constant 128 : index
    %get3A_544 = arith.constant 2 : index
    %get3A_545 = vector.load %arg5[%get3A_543, %get3A_544] : memref<132x3xf32, #tpu.memory_space<vmem>>, vector<1x1xf32>
    %mul3A_546 = vector.broadcast %get3A_545 : vector<1x1xf32> to vector<240x512xf32>
    %mul3A_547 = arith.mulf %convert_element_type3A_328, %mul3A_546 : vector<240x512xf32>
    %add3A_548 = arith.addf %dot_general3A_542, %mul3A_547 : vector<240x512xf32>
    %get3A_549 = arith.constant 129 : index
    %get3A_550 = arith.constant 2 : index
    %get3A_551 = vector.load %arg5[%get3A_549, %get3A_550] : memref<132x3xf32, #tpu.memory_space<vmem>>, vector<1x1xf32>
    %mul3A_552 = vector.broadcast %get3A_551 : vector<1x1xf32> to vector<240x512xf32>
    %mul3A_553 = arith.mulf %convert_element_type3A_360, %mul3A_552 : vector<240x512xf32>
    %add3A_554 = arith.addf %add3A_548, %mul3A_553 : vector<240x512xf32>
    %get3A_555 = arith.constant 130 : index
    %get3A_556 = arith.constant 2 : index
    %get3A_557 = vector.load %arg5[%get3A_555, %get3A_556] : memref<132x3xf32, #tpu.memory_space<vmem>>, vector<1x1xf32>
    %mul3A_558 = vector.broadcast %get3A_557 : vector<1x1xf32> to vector<240x512xf32>
    %mul3A_559 = arith.mulf %mul3A_385, %mul3A_558 : vector<240x512xf32>
    %add3A_560 = arith.addf %add3A_554, %mul3A_559 : vector<240x512xf32>
    %get3A_561 = arith.constant 131 : index
    %get3A_562 = arith.constant 2 : index
    %get3A_563 = vector.load %arg5[%get3A_561, %get3A_562] : memref<132x3xf32, #tpu.memory_space<vmem>>, vector<1x1xf32>
    %mul3A_564 = vector.broadcast %get3A_563 : vector<1x1xf32> to vector<240x512xf32>
    %mul3A_565 = arith.mulf %mul3A_411, %mul3A_564 : vector<240x512xf32>
    %add3A_566 = arith.addf %add3A_560, %mul3A_565 : vector<240x512xf32>
    %mul3A_567 = arith.mulf %rsqrt3A, %add3A_566 : vector<240x512xf32>
    %slice3A_568 = vector.extract_strided_slice %mul3A_567 {offsets = [0, 0], sizes = [240, 64], strides = [1, 1]} : vector<240x512xf32> to vector<240x64xf32>
    %swap3A_569 = arith.constant 486 : index
    %swap3A_570 = arith.constant 1 : index
    %swap3A_571 = vector.load %arg6[%swap3A_569, %swap3A_570] : memref<738x528xf32, #tpu.memory_space<vmem>>, vector<240x64xf32>
    tpu.vector_store %arg6[%swap3A_569, %swap3A_570], %slice3A_568 {strides = array<i32>} : memref<738x528xf32, #tpu.memory_space<vmem>>, vector<240x64xf32>,
    %slice3A_572 = vector.extract_strided_slice %mul3A_567 {offsets = [0, 64], sizes = [240, 64], strides = [1, 1]} : vector<240x512xf32> to vector<240x64xf32>
    %swap3A_573 = arith.constant 486 : index
    %swap3A_574 = arith.constant 67 : index
    %swap3A_575 = vector.load %arg6[%swap3A_573, %swap3A_574] : memref<738x528xf32, #tpu.memory_space<vmem>>, vector<240x64xf32>
    tpu.vector_store %arg6[%swap3A_573, %swap3A_574], %slice3A_572 {strides = array<i32>} : memref<738x528xf32, #tpu.memory_space<vmem>>, vector<240x64xf32>,
    %slice3A_576 = vector.extract_strided_slice %mul3A_567 {offsets = [0, 128], sizes = [240, 64], strides = [1, 1]} : vector<240x512xf32> to vector<240x64xf32>
    %swap3A_577 = arith.constant 486 : index
    %swap3A_578 = arith.constant 133 : index
    %swap3A_579 = vector.load %arg6[%swap3A_577, %swap3A_578] : memref<738x528xf32, #tpu.memory_space<vmem>>, vector<240x64xf32>
    tpu.vector_store %arg6[%swap3A_577, %swap3A_578], %slice3A_576 {strides = array<i32>} : memref<738x528xf32, #tpu.memory_space<vmem>>, vector<240x64xf32>,
    %slice3A_580 = vector.extract_strided_slice %mul3A_567 {offsets = [0, 192], sizes = [240, 64], strides = [1, 1]} : vector<240x512xf32> to vector<240x64xf32>
    %swap3A_581 = arith.constant 486 : index
    %swap3A_582 = arith.constant 199 : index
    %swap3A_583 = vector.load %arg6[%swap3A_581, %swap3A_582] : memref<738x528xf32, #tpu.memory_space<vmem>>, vector<240x64xf32>
    tpu.vector_store %arg6[%swap3A_581, %swap3A_582], %slice3A_580 {strides = array<i32>} : memref<738x528xf32, #tpu.memory_space<vmem>>, vector<240x64xf32>,
    %slice3A_584 = vector.extract_strided_slice %mul3A_567 {offsets = [0, 256], sizes = [240, 64], strides = [1, 1]} : vector<240x512xf32> to vector<240x64xf32>
    %swap3A_585 = arith.constant 486 : index
    %swap3A_586 = arith.constant 265 : index
    %swap3A_587 = vector.load %arg6[%swap3A_585, %swap3A_586] : memref<738x528xf32, #tpu.memory_space<vmem>>, vector<240x64xf32>
    tpu.vector_store %arg6[%swap3A_585, %swap3A_586], %slice3A_584 {strides = array<i32>} : memref<738x528xf32, #tpu.memory_space<vmem>>, vector<240x64xf32>,
    %slice3A_588 = vector.extract_strided_slice %mul3A_567 {offsets = [0, 320], sizes = [240, 64], strides = [1, 1]} : vector<240x512xf32> to vector<240x64xf32>
    %swap3A_589 = arith.constant 486 : index
    %swap3A_590 = arith.constant 331 : index
    %swap3A_591 = vector.load %arg6[%swap3A_589, %swap3A_590] : memref<738x528xf32, #tpu.memory_space<vmem>>, vector<240x64xf32>
    tpu.vector_store %arg6[%swap3A_589, %swap3A_590], %slice3A_588 {strides = array<i32>} : memref<738x528xf32, #tpu.memory_space<vmem>>, vector<240x64xf32>,
    %slice3A_592 = vector.extract_strided_slice %mul3A_567 {offsets = [0, 384], sizes = [240, 64], strides = [1, 1]} : vector<240x512xf32> to vector<240x64xf32>
    %swap3A_593 = arith.constant 486 : index
    %swap3A_594 = arith.constant 397 : index
    %swap3A_595 = vector.load %arg6[%swap3A_593, %swap3A_594] : memref<738x528xf32, #tpu.memory_space<vmem>>, vector<240x64xf32>
    tpu.vector_store %arg6[%swap3A_593, %swap3A_594], %slice3A_592 {strides = array<i32>} : memref<738x528xf32, #tpu.memory_space<vmem>>, vector<240x64xf32>,
    %slice3A_596 = vector.extract_strided_slice %mul3A_567 {offsets = [0, 448], sizes = [240, 64], strides = [1, 1]} : vector<240x512xf32> to vector<240x64xf32>
    %swap3A_597 = arith.constant 486 : index
    %swap3A_598 = arith.constant 463 : index
    %swap3A_599 = vector.load %arg6[%swap3A_597, %swap3A_598] : memref<738x528xf32, #tpu.memory_space<vmem>>, vector<240x64xf32>
    tpu.vector_store %arg6[%swap3A_597, %swap3A_598], %slice3A_596 {strides = array<i32>} : memref<738x528xf32, #tpu.memory_space<vmem>>, vector<240x64xf32>,
    return
  }
}

</mosaic_0001>

<sc_bundles>
// kernel: kernel.5.cloned.1.call-start
scs
__scs_entry_jumppad:
0x0: {  	(pc) =	sbr.rel $0x88, $3  }
0x1: {  	(tag) =	ssettag $0x0;
	lr =	simm.s32 $0x1  }
0x2: {  	[smem:$0x3F9A] =	sst lr;
	_ =	strace $0xD0000000  }
0x3: {  	_ = 	snop  }
0x4: {  	_ = 	snop  }
0x5: {  	_ = 	snop  }
0x6: {  	_ = 	snop  }
0x7: {  	_ = 	snop  }
__scs_overlays_trampoline_lowered:
0x8: {  	[smem:$0x3FA9] =	sst s0  }
0x9: {  	[smem:$0x3FAA] =	sst s1  }
0xa: {  	[smem:$0x3FAB] =	sst s2  }
0xb: {  	[smem:$0x3FAC] =	sst s3  }
0xc: {  	[smem:$0x3FAD] =	sst s4  }
0xd: {  	[smem:$0x3FAE] =	sst s5  }
0xe: {  	[smem:$0x3FAF] =	sst s6  }
0xf: {  	[smem:$0x3FB0] =	sst s7  }
0x10: {  	[smem:$0x3FB1] =	sst s8  }
0x11: {  	[smem:$0x3FB2] =	sst s9;
	s0 =	simm.s32 @!p0 $0x0  }
0x12: {  	s1 =	sld [smem:$0x3F98];
	s0 =	simm.s32 @p0 $0x1  }
0x13: {  	[smem:$0x3FB3] =	sst s0;
	s0 =	simm.s32 @!p1 $0x0  }
0x14: {  	s2 =	sld [smem:$0x3F97];
	s0 =	simm.s32 @p1 $0x1  }
0x15: {  	[smem:$0x3FB4] =	sst s0;
	s0 =	simm.s32 @!p2 $0x0  }
0x16: {  	s3 =	sld [smem:$0x3FDB];
	s0 =	simm.s32 @p2 $0x1  }
0x17: {  	s4 =	simm.s32 $0x1BF5;
	[smem:$0x3FB6] =	sst s0  }
0x18: {  	s0 =	sld [smem:$0x3F99];
	_ =	swait.ge [sflag:s4], $0x0  }
0x19: {  	s7 =	sld [smem:$0x3F9A]  }
0x1a: {  	s8 =	sadd.s32 $0xFFFFE003, lr  }
0x1b: {  	s9 =	sadd.s32 $0xFFFFFEF7, lr;
	s5 =	simm.s32 $0xFFFFFFFF;
	p2 =	slt.u32 s8, $0xFFFFF086  }
0x1c: {  	p1 =	slt.u32 s9, $0xF7A;
	s5 =	simm.s32 @!p2 $0x0  }
0x1d: {  	s5 =	simm.s32 @p1 $0x1;
	p0 =	seq.s32 s7, s2  }
0x1e: {  	s7 =	smul.u32 @!p0 $0xF7A, s2;
	p2 =	seq.s32 @!p0 s5, $0x0  }
0x1f: {  	s9 =	smul.u32 $0xF7A, s1;
	s8 =	simm.s32 @!p0 $0x1BF5;
	p2 =	por !p2, p0  }
0x20: {  	[sflag:s8] =	ssyncset.s32 @!p0 $0xFFFFF086;
	s6 =	sadd.s32 @!p0 s3, s7;
	s7 =	simm.s32 @!p0 $0x108  }
0x21: {  	s3 =	sadd.s32 s3, s9;
	s6 =	sadd.s32 @!p0 $0x88, s6;
	s7 =	simm.s32 @p2 $0x1082  }
0x22: {  	[simem:s7], [sflag:s8] =	dma.local @!p0 [hbm:s6], $0xF7A  }
0x23: {  	s9 =	sor.u32 $0xD0000000, s2;
	s6 =	simm.s32 $0x108;
	_ =	swait.ge @!p0 [sflag:s8], $0x0  }
0x24: {  	s3 =	sadd.s32 $0x88, s3;
	s6 =	simm.s32 @!p1 $0x1082;
	[sflag:s4] =	ssyncset.s32 $0xFFFFF086  }
0x25: {  	[simem:s6], [sflag:s4] =	dma.local [hbm:s3], $0xF7A  }
0x26: {  	[smem:$0x3F9A] =	sst s1;
	(tag) =	ssettag s2;
	_ =	strace s9  }
0x27: {  	s1 =	sld [smem:$0x3FAA]  }
0x28: {  	s2 =	sld [smem:$0x3FAB]  }
0x29: {  	s4 =	sld [smem:$0x3FAD]  }
0x2a: {  	p0 =	seq.s32 s5, $0x0;
	s5 =	sld [smem:$0x3FAE]  }
0x2b: {  	s6 =	sld [smem:$0x3FAF]  }
0x2c: {  	s7 =	sld [smem:$0x3FB0]  }
0x2d: {  	s3 =	simm.s32 $0x108;
	s8 =	sld [smem:$0x3FB1]  }
0x2e: {  	s3 =	simm.s32 @!p0 $0x1082;
	s9 =	sld [smem:$0x3FB2]  }
0x2f: {  	lr =	sadd.s32 s0, s3;
	s0 =	sld [smem:$0x3FA9]  }
0x30: {  	s3 =	sld [smem:$0x3FAC]  }
0x31: {  	[smem:$0x3FB5] =	sst s10  }
0x32: {  	s10 =	sld [smem:$0x3FB3];
	_ =	sdelay $0x3  }
0x33: {  	p0 =	seq.s32 s10, $0x1;
	s10 =	sld [smem:$0x3FB5];
	_ =	sdelay $0x3  }
0x34: {  	[smem:$0x3FB5] =	sst s10  }
0x35: {  	s10 =	sld [smem:$0x3FB4];
	_ =	sdelay $0x3  }
0x36: {  	p1 =	seq.s32 s10, $0x1;
	s10 =	sld [smem:$0x3FB5];
	_ =	sdelay $0x3  }
0x37: {  	[smem:$0x3FB5] =	sst s10  }
0x38: {  	s10 =	sld [smem:$0x3FB6]  }
0x39: {  	_ = 	snop;
	(pc) =	sbr.ind lr, $3  }
0x3a: {  	_ = 	snop  }
0x3b: {  	_ = 	snop  }
0x3c: {  	p2 =	seq.s32 s10, $0x1;
	s10 =	sld [smem:$0x3FB5]  }
0x3d: {  	_ =	shalt  }
0x3e: {  	_ =	shalt  }
0x3f: {  	_ =	shalt  }
0x40: {  	_ =	shalt  }
0x41: {  	_ =	shalt  }
0x42: {  	_ =	shalt  }
0x43: {  	_ =	shalt  }
0x44: {  	_ =	shalt  }
0x45: {  	_ =	shalt  }
0x46: {  	_ =	shalt  }
0x47: {  	_ =	shalt  }
0x48: {  	_ =	shalt  }
0x49: {  	_ =	shalt  }
0x4a: {  	_ =	shalt  }
0x4b: {  	_ =	shalt  }
0x4c: {  	_ =	shalt  }
0x4d: {  	_ =	shalt  }
0x4e: {  	_ =	shalt  }
0x4f: {  	_ =	shalt  }
0x50: {  	_ =	shalt  }
0x51: {  	_ =	shalt  }
0x52: {  	_ =	shalt  }
0x53: {  	_ =	shalt  }
0x54: {  	_ =	shalt  }
0x55: {  	_ =	shalt  }
0x56: {  	_ =	shalt  }
0x57: {  	_ =	shalt  }
0x58: {  	_ =	shalt  }
0x59: {  	_ =	shalt  }
0x5a: {  	_ =	shalt  }
0x5b: {  	_ =	shalt  }
0x5c: {  	_ =	shalt  }
0x5d: {  	_ =	shalt  }
0x5e: {  	_ =	shalt  }
0x5f: {  	_ =	shalt  }
0x60: {  	_ =	shalt  }
0x61: {  	_ =	shalt  }
0x62: {  	_ =	shalt  }
0x63: {  	_ =	shalt  }
0x64: {  	_ =	shalt  }
0x65: {  	_ =	shalt  }
0x66: {  	_ =	shalt  }
0x67: {  	_ =	shalt  }
0x68: {  	_ =	shalt  }
0x69: {  	_ =	shalt  }
0x6a: {  	_ =	shalt  }
0x6b: {  	_ =	shalt  }
0x6c: {  	_ =	shalt  }
0x6d: {  	_ =	shalt  }
0x6e: {  	_ =	shalt  }
0x6f: {  	_ =	shalt  }
0x70: {  	_ =	shalt  }
0x71: {  	_ =	shalt  }
0x72: {  	_ =	shalt  }
0x73: {  	_ =	shalt  }
0x74: {  	_ =	shalt  }
0x75: {  	_ =	shalt  }
0x76: {  	_ =	shalt  }
0x77: {  	_ =	shalt  }
0x78: {  	_ =	shalt  }
0x79: {  	_ =	shalt  }
0x7a: {  	_ =	shalt  }
0x7b: {  	_ =	shalt  }
0x7c: {  	_ =	shalt  }
0x7d: {  	_ =	shalt  }
0x7e: {  	_ =	shalt  }
0x7f: {  	_ =	shalt  }
0x80: {  	_ =	shalt  }
0x81: {  	_ =	shalt  }
0x82: {  	_ =	shalt  }
0x83: {  	_ =	shalt  }
0x84: {  	_ =	shalt  }
0x85: {  	_ =	shalt  }
0x86: {  	_ =	shalt  }
0x87: {  	_ =	shalt  }
.Lfunc_end0:
.L_simem_size_0:
called_computation_lowered:
.L_overlay_start_0:
0x88: {  	s2 =	sld [smem:$0x3FD9]  }
0x89: {  	s3 =	sld [smem:$0x3FFE];
	_ =	sdelay $0x1  }
0x8a: {  	s1 =	srdreg.scid  }
0x8b: {  	s0 =	sand.u32 $0x1, s1  }
0x8c: {  	s17 =	sshll.u32 s0, $0xA;
	s2 =	sadd.s32 s3, s2  }
0x8d: {  	s2 =	sadd.s32 s2, s17  }
0x8e: {  	[smem:$0x3FC1] =	sst s2  }
0x8f: {  	_ = 	snop  }
0x90: {  	s2 =	sld [smem:$0x3FD0];
	(tm) =	ssettm $0x1  }
0x91: {  	s18 =	sld [smem:$0x3FFB];
	_ =	sdelay $0x3  }
0x92: {  	_ =	strace s18  }
0x93: {  	s3 =	sld [smem:$0x3FFC];
	_ =	sdelay $0x3  }
0x94: {  	_ =	strace s3  }
0x95: {  	s3 =	sld [smem:$0x3FFD];
	_ =	sdelay $0x3  }
0x96: {  	_ =	strace s3  }
0x97: {  	_ =	strace $0x8FFFFFFF  }
0x98: {  	s19 =	sld [smem:$0x3FDB];
	_ =	sdelay $0x1  }
0x99: {  	s4 =	simm.s32 $_scs_section_size  }
0x9a: {  	s5 =	simm.s32 $_size__tile_overlayer_lowered;
	s6 =	simm.s32 $_tile_overlayer_lowered  }
0x9b: {  	s22 =	simm.s32 $0x1BFF;
	s21 =	sshll.u32 s6, $0x1;
	s3 =	sadd.s32 s4, s19  }
0x9c: {  	s7 =	simm.s32 $0x0;
	s20 =	sshll.u32 s5, $0x1;
	s5 =	sadd.s32 s21, s3  }
0x9d: {  	[timem:s7], [sflag:s22] =	dma.local [hbm:s5], s20  }
0x9e: {  	_ =	swait.ge [sflag:s22], s20  }
0x9f: {  	s4 =	ssub.s32 $0x0, s20;
	[sflag:s22] =	ssyncset.done $0x0  }
0xa0: {  	[sflag:s22] =	ssyncadd.s32 s4;
	_ =	sdelay $0x1  }
0xa1: {  	s23 =	simm.s32 $0x1B8B  }
0xa2: {  	_ =	swait.ge [sflag:s23], $0x1  }
0xa3: {  	[sflag:s23] =	ssyncset.done $0x0  }
0xa4: {  	s25 =	simm.s32 $0x1B8E;
	s24 =	sld [smem:$0x3FFE];
	[sflag:s23] =	ssyncadd.s32 $0xFFFFFFFF  }
0xa5: {  	s26 =	simm.s32 $execute0_lowered;
	[smem:$0x3FD2] =	sst s25  }
0xa6: {  	s5 =	sshll.u32 s26, $0x1;
	_ =	strace $0x80000046;
	[dreg:$0x1] =	wrdreg $0xFFFFFFFF  }
0xa7: {  	s28 =	simm.s32 $_size_execute0_lowered;
	s3 =	sadd.s32 s3, s5;
	[dreg:$0x0] =	wrdreg $0x0  }
0xa8: {  	s5 =	sshll.u32 s28, $0x1;
	[dreg:$0x2] =	wrdreg s3  }
0xa9: {  	[dreg:$0x3] =	wrdreg s5  }
0xaa: {  	[dreg:$0x4] =	wrdreg $0xC0  }
0xab: {  	_ =	task [dreg:s7], $0x5FFFF  }
0xac: {  	[dreg:$0x1] =	wrdreg $0xFFFFFFFF  }
0xad: {  	[dreg:$0x0] =	wrdreg $0x60  }
0xae: {  	[dreg:$0x2] =	wrdreg s2  }
0xaf: {  	[dreg:$0x3] =	wrdreg s24  }
0xb0: {  	[dreg:$0x4] =	wrdreg $0x9  }
0xb1: {  	_ =	task.clear_ibuf [dreg:s7], $0x5FFFF;
	_ =	strace $0x90000046  }
0xb2: {  	s29 =	simm.s32 $0x9;
	_ =	strace $0x80000048  }
0xb3: {  	_ =	swait.ge [sflag:s29], $0x1  }
0xb4: {  	[sflag:s29] =	ssyncadd.s32 $0xFFFFFFFF  }
0xb5: {  	_ =	strace $0x90000048  }
0xb6: {  	_ =	sfence  }
0xb7: {  	s30 =	sld [smem:$0x0];
	_ =	sdelay $0x2  }
0xb8: {  	s31 =	sshll.u32 s1, $0xD;
	s1 =	sshrl.u32 s1, $0x2  }
0xb9: {  	s3 =	sand.u32 $0x4000, s31;
	s1 =	sadd.s32 s1, s30  }
0xba: {  	s0 =	sor.u32 s3, s0;
	s1 =	sshll.u32 s1, $0x11  }
0xbb: {  	s0 =	sor.u32 s1, s0  }
0xbc: {  	s0 =	sadd.s32 $0x8F2B, s0  }
0xbd: {  	[sflag:s0] =	ssyncadd.remote.s32 $0x1  }
0xbe: {  	_ =	sfence.sel $0xFFFF  }
0xbf: {  	[dreg:$0x0] =	wrdreg $0xFFFFFFFF;
	(pc) =	sbr.abs _section_cstart, $3  }
0xc0: {  	[dreg:$0x1] =	wrdreg $0xFFFFFFFF  }
0xc1: {  	_ =	task.clear_ibuf [dreg:s7], $0x2FFFF;
	_ =	strace $0x9FFFFFFF  }
0xc2: {  	(tm) =	ssettm $0x7FFFFFFF  }
0xc3: {  	_ =	shalt  }
tec
execute0_lowered:
.L_overlay_start_1:
0x0: {  	(tag) =	ssettag $0x1  }
0x1: {  	s1 =	srdreg.scid;
	s0 =	stileid.u32  }
0x2: {  	s4 =	rddreg [dreg:$0x0];
	s3 =	sand.u32 $0x1, s1;
	s31 =	sshll.u32 s0, $0x1  }
0x3: {  	s5 =	rddreg [dreg:$0x1];
	s2 =	simm.s32 $0x0;
	s1 =	sor.u32 s3, s31  }
0x4: {  	[smem:$0x7FF] =	sst s2;
	s3 =	ssub.s32 $0x2, s3;
	s6 =	smul.u32 $0x2F70, s1  }
0x5: {  	s8 =	simm.s32 $0x0;
	s1 =	rddreg [dreg:$0x2];
	s7 =	sshrl.u32 s3, $0x1  }
0x6: {  	_ =	strace $0x80000047;
	s7 =	ssub.s32 s3, s7;
	s6 =	sshrl.u32 s6, $0x3  }
0x7: {  	s5 =	sadd.s32 s5, s6;
	s3 =	sadd.s32 s4, s6;
	s6 =	simm.s32 $0x1  }
0x8: {  	s4 =	sadd.s32 $0x1042, s5;
	s5 =	smax.u32 s7, $0x1;
	s7 =	simm.s32 $0x3400  }
.LBB2_1:
0x9: {  	[tilespmem:s2], [sflag:$0x1] =	stream.linear.gather [hbm4b:s3+s2], $0x3390, $0x38;
	[tilespmem:$0x6380] =	vst v63  }
0xa: {  	_ =	swait.ge [sflag:s6], $0x3390  }
0xb: {  	[sflag:s6] =	ssyncset.done $0x0  }
0xc: {  	s9 =	simm.s32 $0x0;
	[sflag:s6] =	ssyncadd.s32 $0xFFFFCC70  }
0xd: {  	v0 =	vld [tilespmem:s9+$0x210]  }
0xe: {  	v1 =	vld [tilespmem:s9+$0x0];
	_ =	sdelay $0x1  }
0xf: {  	v4 =	vld [tilespmem:s9+$0x420]  }
0x10: {  	v5 =	vld [tilespmem:s9+$0x20F]  }
0x11: {  	s10 =	simm.s32 $0x10;
	v2 =	vld [tilespmem:s9+$0x211]  }
0x12: {  	v3 =	vld [tilespmem:s10+$0x0];
	v1 =	vadd.f32 v1, v0  }
0x13: {  	v0 =	vld [tilespmem:s10+$0x210]  }
0x14: {  	v6 =	vadd.f32 v4, v1  }
0x15: {  	v4 =	vld [tilespmem:s10+$0x420]  }
0x16: {  	s11 =	simm.s32 $0x80;
	v1 =	vld [tilespmem:s10+$0x211];
	v5 =	vadd.f32 v5, v6  }
.LBB2_2:
0x17: {  	s12 =	sshra.s32 s11, $0x2;
	v6 =	vld [tilespmem:s10+$0x20F];
	p0 =	sne.s32 s11, $0xBD80  }
.Ltmp0:
0x18: {  	s11 =	sadd.s32 $0x40, s11;
	v7 =	vadd.f32 v3, v0;
	v0 =	vld [tilespmem:s12+$0x210];
	v8 =	vadd.f32 v2, v5;
	(pc) =	sbr.rel @p0 .LBB2_2-.Ltmp0, $4  }
0x19: {  	v3 =	vld [tilespmem:s12+$0x0]  }
0x1a: {  	v5 =	vadd.f32 v4, v7;
	[tilespmem:s9+$0x3400] =	vst v8;
	s9 =	smov.u32 s10;
	s10 =	smov.u32 s12  }
0x1b: {  	v4 =	vld [tilespmem:s10+$0x420];
	v2 =	vmov v1  }
0x1c: {  	v1 =	vld [tilespmem:s10+$0x211];
	v5 =	vadd.f32 v6, v5  }
0x1d: {  	v6 =	vld [tilespmem:s10+$0x20F]  }
0x1e: {  	v0 =	vadd.f32 v3, v0;
	_ =	sdelay $0x1  }
0x1f: {  	v0 =	vadd.f32 v4, v0;
	_ =	sdelay $0x1  }
0x20: {  	v0 =	vadd.f32 v6, v0  }
0x21: {  	v2 =	vadd.f32 v2, v5  }
0x22: {  	s8 =	sadd.s32 $0x1, s8;
	v0 =	vadd.f32 v1, v0  }
0x23: {  	p0 =	sne.s32 s8, s5;
	[tilespmem:s9+$0x3400] =	vst v2  }
.Ltmp1:
0x24: {  	[tilespmem:s10+$0x3400] =	vst v0;
	(pc) =	sbr.rel @p0 .LBB2_1-.Ltmp1, $4  }
0x25: {  	[hbm4b:s4+s2] =	stream.linear.scatter [tilespmem:s7], [sflag:$0x1], $0x2F70, $0x38;
	[tilespmem:$0x6380] =	vst v63  }
0x26: {  	_ =	swait.ge [sflag:s6], $0x2F70  }
0x27: {  	[sflag:s6] =	ssyncset.done $0x0  }
0x28: {  	[sflag:s6] =	ssyncadd.s32 $0xFFFFD090  }
0x29: {  	_ =	sfence.sel $0x180000  }
0x2a: {  	[bflag:$0x0] =	sbarrier.arrive $0xFFFF  }
0x2b: {  	p0 =	sne.s32 s0, $0x0;
	_ =	strace $0x90000047  }
0x2c: {  	s0 =	sadd.s32 @!p0 $0x100000, s1;
	[bflag:$0x2] =	sbarrier.arrive $0xFFFF  }
0x2d: {  	[sflag:s0] =	ssyncadd.tile.s32 @!p0 $0x1;
	_ =	shalt  }
.Lfunc_end2:
_tile_overlayer_lowered:
.L_overlay_start_2:
0x2e: {  	(tag) =	ssettag $0x2  }
0x2f: {  	s0 =	rddreg [dreg:$0x0];
	s2 =	stileid.u32  }
0x30: {  	s1 =	rddreg [dreg:$0x1];
	p0 =	sne.s32 s2, $0x0  }
0x31: {  	s3 =	rddreg [dreg:$0x2];
	[bflag:$0x3] =	sbarrier.arrive $0xFFFF;
	s2 =	simm.s32 @!p0 $0x1C01  }
0x32: {  	[timem:s3], [sflag:s2] =	dma.local @!p0 [hbm:s0], s1  }
0x33: {  	s0 =	simm.s32 @!p0 $0x1  }
0x34: {  	_ =	swait.ge @!p0 [sflag:s0], s1  }
0x35: {  	s1 =	ssub.s32 @!p0 $0x0, s1;
	[sflag:s0] =	ssyncset.done @!p0 $0x0  }
0x36: {  	[sflag:s0] =	ssyncadd.s32 @!p0 s1  }
0x37: {  	[bflag:$0x3] =	sbarrier.arrive $0xFFFF  }
0x38: {  	_ =	shalt  }

</sc_bundles>
